<compile_context>
chip_gen: v7x
topology: tpu7x:2x2x1
jax: 0.10.2.dev20260603
libtpu: 0.0.44.dev20260713+nightly
codegen_flags: <defaults>
</compile_context>

<pallas_src>
import functools

import jax
import jax.numpy as jnp
from jax import lax
from jax.experimental import pallas as pl
from jax.experimental.pallas import tpu as pltpu
from jax.experimental.pallas import tpu_sc as plsc

N = 10000
D = 128
H = 128
E = 320000
B = 4096

NPAD = 10240
BB = 512
KB = 2048

HALF = NPAD // 2
EPT = E // 16
ZROWS = NPAD // 32
ZBUF = 2 * NPAD
TRASH = N * NPAD
GROUPS = EPT // 16
INNER = 10


def _adj_body(rows_hbm, cols_hbm, a_ref, rows_v, cols_v, ones_v, zbuf, sem):
    cid = lax.axis_index("c")
    sid = lax.axis_index("s")

    pltpu.sync_copy(rows_hbm.at[pl.ds(sid * EPT, EPT)], rows_v)
    pltpu.sync_copy(cols_hbm.at[pl.ds(sid * EPT, EPT)], cols_v)

    ones_v[...] = jnp.ones((16,), jnp.float32)

    def zfill(i, carry):
        zbuf[pl.ds(i * 16, 16)] = jnp.zeros((16,), jnp.float32)
        return carry

    lax.fori_loop(0, ZBUF // 16, zfill, 0)

    rowbase = (cid * HALF + sid * ZROWS) * NPAD

    def zdma(k, carry):
        pltpu.sync_copy(zbuf, a_ref.at[pl.ds(rowbase + k * ZBUF, ZBUF)])
        return carry

    lax.fori_loop(0, ZROWS * NPAD // ZBUF, zdma, 0)

    plsc.subcore_barrier()

    lo = cid * HALF
    hi = lo + HALF

    def sgroup(i, carry):
        handles = []
        for t in range(INNER):
            off = (i * INNER + t) * 16
            r = rows_v[pl.ds(off, 16)]
            c = cols_v[pl.ds(off, 16)]
            flat = r * NPAD + c
            ok = (r >= lo) & (r < hi)
            idx = jnp.where(ok, flat, TRASH)
            handles.append(pltpu.async_copy(ones_v, a_ref.at[idx], sem))
        for h in handles:
            h.wait()
        return carry

    lax.fori_loop(0, GROUPS // INNER, sgroup, 0)


_adj_kernel = functools.partial(
    pl.kernel,
    out_type=jax.ShapeDtypeStruct((NPAD * NPAD,), jnp.float32),
    mesh=plsc.VectorSubcoreMesh(core_axis_name="c", subcore_axis_name="s"),
    scratch_types=[
        pltpu.VMEM((EPT,), jnp.int32),
        pltpu.VMEM((EPT,), jnp.int32),
        pltpu.VMEM((16,), jnp.float32),
        pltpu.VMEM((ZBUF,), jnp.float32),
        pltpu.SemaphoreType.DMA,
    ],
)(_adj_body)


def _spmm_body(ai_ref, aj_ref, x_ref, wxlinT_ref, bxlin_ref, out_ref):
    k = pl.program_id(1)

    @pl.when(k == 0)
    def _():
        out_ref[...] = jnp.zeros_like(out_ref)

    xb = x_ref[...]
    x2 = xb + jnp.dot(xb, wxlinT_ref[...], preferred_element_type=jnp.float32) \
            + bxlin_ref[...]
    cn = ai_ref[...] * aj_ref[...]
    out_ref[...] += jnp.dot(cn, x2, preferred_element_type=jnp.float32)


def _mlp_body(xi_ref, xj_ref, xcn_ref,
              wijiT_ref, biji_ref, wijjT_ref, bijj_ref, wijfT_ref, bijf_ref,
              wxcnT_ref, bxcn_ref, wxsT_ref, bxs_ref, beta_ref, sgn_ref,
              out_ref):
    xi = xi_ref[...]
    xj = xj_ref[...]
    xij = jnp.maximum(
        jnp.dot(xi, wijiT_ref[...], preferred_element_type=jnp.float32) + biji_ref[...]
        + jnp.dot(xj, wijjT_ref[...], preferred_element_type=jnp.float32) + bijj_ref[...],
        0.0)
    xij = jnp.dot(xij, wijfT_ref[...], preferred_element_type=jnp.float32) + bijf_ref[...]
    xs = (jnp.dot(xcn_ref[...], wxcnT_ref[...], preferred_element_type=jnp.float32)
          + bxcn_ref[...]) * beta_ref[0, 0] + xij
    xs = jnp.dot(xs, wxsT_ref[...], preferred_element_type=jnp.float32) + bxs_ref[...]
    z = sgn_ref[0, 0] * xs
    t = -z
    out_ref[...] = jnp.maximum(t, 0.0) + jnp.log1p(jnp.exp(-jnp.abs(t)))


@jax.jit
def _run(x, edge_index, tar_ei, boolen, beta, Wxlin, bxlin, Wxcn, bxcn,
         Wiji, biji, Wijj, bijj, Wijf, bijf, Wxs, bxs):
    a_flat = _adj_kernel(edge_index[0], edge_index[1])
    a2 = a_flat.reshape(NPAD, NPAD)
    ai = jnp.take(a2, tar_ei[0], axis=0)
    aj = jnp.take(a2, tar_ei[1], axis=0)
    xpad = jnp.pad(x, ((0, NPAD - N), (0, 0)))

    xcn = pl.pallas_call(
        _spmm_body,
        grid=(B // BB, NPAD // KB),
        in_specs=[
            pl.BlockSpec((BB, KB), lambda i, k: (i, k)),
            pl.BlockSpec((BB, KB), lambda i, k: (i, k)),
            pl.BlockSpec((KB, D), lambda i, k: (k, 0)),
            pl.BlockSpec((H, H), lambda i, k: (0, 0)),
            pl.BlockSpec((1, H), lambda i, k: (0, 0)),
        ],
        out_specs=pl.BlockSpec((BB, D), lambda i, k: (i, 0)),
        out_shape=jax.ShapeDtypeStruct((B, D), jnp.float32),
        compiler_params=pltpu.CompilerParams(
            dimension_semantics=("parallel", "arbitrary")),
    )(ai, aj, xpad, Wxlin.T, bxlin.reshape(1, H))

    xi = jnp.take(x, tar_ei[0], axis=0)
    xj = jnp.take(x, tar_ei[1], axis=0)
    sgn = jnp.where(boolen, 1.0, -1.0).reshape(1, 1).astype(jnp.float32)

    res = pl.pallas_call(
        _mlp_body,
        grid=(B // BB,),
        in_specs=[
            pl.BlockSpec((BB, D), lambda i: (i, 0)),
            pl.BlockSpec((BB, D), lambda i: (i, 0)),
            pl.BlockSpec((BB, D), lambda i: (i, 0)),
            pl.BlockSpec((D, H), lambda i: (0, 0)),
            pl.BlockSpec((1, H), lambda i: (0, 0)),
            pl.BlockSpec((D, H), lambda i: (0, 0)),
            pl.BlockSpec((1, H), lambda i: (0, 0)),
            pl.BlockSpec((H, H), lambda i: (0, 0)),
            pl.BlockSpec((1, H), lambda i: (0, 0)),
            pl.BlockSpec((D, H), lambda i: (0, 0)),
            pl.BlockSpec((1, H), lambda i: (0, 0)),
            pl.BlockSpec((H, 1), lambda i: (0, 0)),
            pl.BlockSpec((1, 1), lambda i: (0, 0)),
            pl.BlockSpec((1, 1), lambda i: (0, 0)),
            pl.BlockSpec((1, 1), lambda i: (0, 0)),
        ],
        out_specs=pl.BlockSpec((BB, 1), lambda i: (i, 0)),
        out_shape=jax.ShapeDtypeStruct((B, 1), jnp.float32),
    )(xi, xj, xcn,
      Wiji.T, biji.reshape(1, H), Wijj.T, bijj.reshape(1, H),
      Wijf.T, bijf.reshape(1, H), Wxcn.T, bxcn.reshape(1, H),
      Wxs.T, bxs.reshape(1, 1), beta.reshape(1, 1), sgn)
    return res


def kernel(x, edge_index, tar_ei, boolen, beta, Wxlin, bxlin, Wxcn, bxcn,
           Wiji, biji, Wijj, bijj, Wijf, bijf, Wxs, bxs):
    return _run(x, edge_index, tar_ei, boolen, beta, Wxlin, bxlin, Wxcn, bxcn,
                Wiji, biji, Wijj, bijj, Wijf, bijf, Wxs, bxs)

# --- scband reference (transcript-rebuilt; emitter-appended) ---
"""Pipeline reference for scband-ncnpredictor-446676599133 (READ-ONLY COPY).

The authoritative reference and input builder live on the scoring server;
editing this copy changes nothing except your own understanding.
"""

import jax, jax.numpy as jnp
import numpy as np

N = 10000
D = 128
H = 128
E = 320000
B = 4096

def setup_inputs(seed: int = 0):
    key = jax.random.key(seed)
    ks = jax.random.split(key, 12)
    x = jax.random.normal(ks[0], (N, D), dtype=jnp.float32)
    edge_index = jax.random.randint(ks[1], (2, E), 0, N, dtype=jnp.int32)
    tar_ei = jax.random.randint(ks[2], (2, B), 0, N, dtype=jnp.int32)
    s = 0.05
    def lin(k, o, i):
        kw, kb = jax.random.split(k)
        return (jax.random.normal(kw, (o, i), jnp.float32) * s,
                jax.random.normal(kb, (o,), jnp.float32) * s)
    Wxlin, bxlin = lin(ks[3], H, H)
    Wxcn, bxcn = lin(ks[4], H, D)
    Wiji, biji = lin(ks[5], H, D)
    Wijj, bijj = lin(ks[6], H, D)
    Wijf, bijf = lin(ks[7], H, D)
    Wxs, bxs = lin(ks[8], 1, H)
    beta = jnp.ones((1,), jnp.float32)
    return {"x": x, "edge_index": edge_index, "tar_ei": tar_ei, "boolen": True,
            "beta": beta, "Wxlin": Wxlin, "bxlin": bxlin, "Wxcn": Wxcn, "bxcn": bxcn,
            "Wiji": Wiji, "biji": biji, "Wijj": Wijj, "bijj": bijj,
            "Wijf": Wijf, "bijf": bijf, "Wxs": Wxs, "bxs": bxs}

def reference(x, edge_index, tar_ei, boolen, beta, Wxlin, bxlin, Wxcn, bxcn, Wiji, biji, Wijj, bijj, Wijf, bijf, Wxs, bxs):
    # dense 0/1 adjacency built from edge_index (scatter-overwrite); edrop=0 so DropAdj is identity
    A = jnp.zeros((N, N), jnp.float32).at[edge_index[0], edge_index[1]].set(1.0)
    # xi, xj gathered from ORIGINAL x (before xlin residual), matching torch order
    xi = x[tar_ei[0]]
    xj = x[tar_ei[1]]
    x2 = x + (x @ Wxlin.T + bxlin)
    # adjoverlap: common-neighbor indicator cn[b, n] = A[i_b, n] * A[j_b, n]
    Ai = A[tar_ei[0]]
    Aj = A[tar_ei[1]]
    cn = Ai * Aj
    # spmm_add(cn, x2): sum features of common neighbors
    xcn = cn @ x2
    xij = jax.nn.relu((xi @ Wiji.T + biji) + (xj @ Wijj.T + bijj))
    xij = xij @ Wijf.T + bijf
    # note: torch code calls xs.relu() without assignment -> no-op, faithfully omitted
    xs = (xcn @ Wxcn.T + bxcn) * beta + xij
    xs = xs @ Wxs.T + bxs
    res = -jax.nn.log_sigmoid(jnp.where(boolen, xs, -xs))
    return res

if __name__ == "__main__":
    import jax
    _d = setup_inputs()
    print(jax.jit(kernel)(*tuple(_d.values())))

</pallas_src>

<mosaic_0001>
#map = affine_map<(d0, d1) -> (0)>
module attributes {stable_mosaic.version = 14 : i64} {
  func.func @_adj_body(%arg0: i32, %arg1: i32, %arg2: memref<320000xi32, #tpu.memory_space<hbm>>, %arg3: memref<320000xi32, #tpu.memory_space<hbm>>, %arg4: memref<104857600xf32, #tpu.memory_space<hbm>>, %arg5: memref<20000xi32, #tpu.memory_space<vmem>>, %arg6: memref<20000xi32, #tpu.memory_space<vmem>>, %arg7: memref<16xf32, #tpu.memory_space<vmem>>, %arg8: memref<20480xf32, #tpu.memory_space<vmem>>, %arg9: memref<!tpu.dma_semaphore, #tpu.memory_space<semaphore_mem>>) attributes {dimension_semantics = [#tpu.dimension_semantics<core_parallel>, #tpu.dimension_semantics<subcore_parallel>], iteration_bounds = array<i64: 2, 16>, scalar_prefetch = 0 : i64, scratch_operands = 5 : i64, tpu.core_type = #tpu.core_type<sc_vector_subcore>, window_params = [{transform_indices = #map}, {transform_indices = #map}, {transform_indices = #map}]} {
    %mul3A = arith.constant 20000 : i32
    %mul3A_0 = arith.muli %arg1, %mul3A : i32
    "tpu.region"() ({
      %run_scoped3A = tpu.sem_alloc : memref<!tpu.dma_semaphore, #tpu.memory_space<semaphore_mem>>
      %dma_start3A = tpu.memref_slice %arg2[%mul3A_0] : memref<320000xi32, #tpu.memory_space<hbm>> -> memref<20000xi32, #tpu.memory_space<hbm>>
      %dma_start3A_34 = tpu.memref_slice %arg2[%mul3A_0] : memref<320000xi32, #tpu.memory_space<hbm>> -> memref<20000xi32, #tpu.memory_space<hbm>>
      tpu.enqueue_dma source(%dma_start3A_34 : memref<20000xi32, #tpu.memory_space<hbm>>) target(%arg5 : memref<20000xi32, #tpu.memory_space<vmem>>) target_semaphore(%run_scoped3A : memref<!tpu.dma_semaphore, #tpu.memory_space<semaphore_mem>>)
      %dma_wait3A = tpu.memref_slice %arg2[%mul3A_0] : memref<320000xi32, #tpu.memory_space<hbm>> -> memref<20000xi32, #tpu.memory_space<hbm>>
      %dma_wait3A_35 = tpu.memref_slice %arg2[%mul3A_0] : memref<320000xi32, #tpu.memory_space<hbm>> -> memref<20000xi32, #tpu.memory_space<hbm>>
      tpu.wait_dma2 semaphore(%run_scoped3A : memref<!tpu.dma_semaphore, #tpu.memory_space<semaphore_mem>>) src(%dma_wait3A_35 : memref<20000xi32, #tpu.memory_space<hbm>>) dst(%arg5 : memref<20000xi32, #tpu.memory_space<vmem>>)
      tpu.yield
    }) : () -> ()
    %mul3A_1 = arith.constant 20000 : i32
    %mul3A_2 = arith.muli %arg1, %mul3A_1 : i32
    "tpu.region"() ({
      %run_scoped3A = tpu.sem_alloc : memref<!tpu.dma_semaphore, #tpu.memory_space<semaphore_mem>>
      %dma_start3A = tpu.memref_slice %arg3[%mul3A_2] : memref<320000xi32, #tpu.memory_space<hbm>> -> memref<20000xi32, #tpu.memory_space<hbm>>
      %dma_start3A_34 = tpu.memref_slice %arg3[%mul3A_2] : memref<320000xi32, #tpu.memory_space<hbm>> -> memref<20000xi32, #tpu.memory_space<hbm>>
      tpu.enqueue_dma source(%dma_start3A_34 : memref<20000xi32, #tpu.memory_space<hbm>>) target(%arg6 : memref<20000xi32, #tpu.memory_space<vmem>>) target_semaphore(%run_scoped3A : memref<!tpu.dma_semaphore, #tpu.memory_space<semaphore_mem>>)
      %dma_wait3A = tpu.memref_slice %arg3[%mul3A_2] : memref<320000xi32, #tpu.memory_space<hbm>> -> memref<20000xi32, #tpu.memory_space<hbm>>
      %dma_wait3A_35 = tpu.memref_slice %arg3[%mul3A_2] : memref<320000xi32, #tpu.memory_space<hbm>> -> memref<20000xi32, #tpu.memory_space<hbm>>
      tpu.wait_dma2 semaphore(%run_scoped3A : memref<!tpu.dma_semaphore, #tpu.memory_space<semaphore_mem>>) src(%dma_wait3A_35 : memref<20000xi32, #tpu.memory_space<hbm>>) dst(%arg6 : memref<20000xi32, #tpu.memory_space<vmem>>)
      tpu.yield
    }) : () -> ()
    %broadcast_in_dim3A = arith.constant 1.000000e+00 : f32
    %broadcast_in_dim3A_3 = vector.broadcast %broadcast_in_dim3A : f32 to vector<16xf32>
    %swap3A = arith.constant 0 : index
    %swap3A_4 = tpu.vector_load %arg7[%swap3A] {strides = array<i32>} : memref<16xf32, #tpu.memory_space<vmem>>, vector<16xf32>,
    %swap3A_5 = vector.shape_cast %swap3A_4 : vector<16xf32> to vector<16xf32>
    %swap3A_6 = vector.shape_cast %broadcast_in_dim3A_3 : vector<16xf32> to vector<16xf32>
    tpu.vector_store %arg7[%swap3A], %swap3A_6 {strides = array<i32>} : memref<16xf32, #tpu.memory_space<vmem>>, vector<16xf32>,
    %scan3A = arith.constant 0 : i32
    %scan3A_7 = arith.constant 0 : i32
    %scan3A_8 = arith.constant 1280 : i32
    %scan3A_9 = arith.addi %scan3A_7, %scan3A_8 : i32
    %scan3A_10 = arith.constant 1 : i32
    scf.for %scan3A_34 = %scan3A_7 to %scan3A_9 step %scan3A_10  : i32 {
      %broadcast_in_dim3A_35 = arith.constant 0.000000e+00 : f32
      %broadcast_in_dim3A_36 = vector.broadcast %broadcast_in_dim3A_35 : f32 to vector<16xf32>
      %mul3A_37 = arith.constant 16 : i32
      %mul3A_38 = arith.muli %scan3A_34, %mul3A_37 : i32
      %swap3A_39 = arith.index_cast %mul3A_38 : i32 to index
      %swap3A_40 = tpu.vector_load %arg8[%swap3A_39] {strides = array<i32>} : memref<20480xf32, #tpu.memory_space<vmem>>, vector<16xf32>,
      %swap3A_41 = vector.shape_cast %swap3A_40 : vector<16xf32> to vector<16xf32>
      %swap3A_42 = vector.shape_cast %broadcast_in_dim3A_36 : vector<16xf32> to vector<16xf32>
      tpu.vector_store %arg8[%swap3A_39], %swap3A_42 {strides = array<i32>} : memref<20480xf32, #tpu.memory_space<vmem>>, vector<16xf32>,
    }
    %scan3A_11 = arith.constant 1280 : i32
    %mul3A_12 = arith.constant 5120 : i32
    %mul3A_13 = arith.muli %arg0, %mul3A_12 : i32
    %mul3A_14 = arith.constant 320 : i32
    %mul3A_15 = arith.muli %arg1, %mul3A_14 : i32
    %add3A = arith.addi %mul3A_13, %mul3A_15 : i32
    %mul3A_16 = arith.constant 10240 : i32
    %mul3A_17 = arith.muli %add3A, %mul3A_16 : i32
    %scan3A_18 = arith.constant 0 : i32
    %scan3A_19 = arith.constant 0 : i32
    %scan3A_20 = arith.constant 160 : i32
    %scan3A_21 = arith.addi %scan3A_19, %scan3A_20 : i32
    %scan3A_22 = arith.constant 1 : i32
    scf.for %scan3A_34 = %scan3A_19 to %scan3A_21 step %scan3A_22  : i32 {
      %mul3A_35 = arith.constant 20480 : i32
      %mul3A_36 = arith.muli %scan3A_34, %mul3A_35 : i32
      %add3A_37 = arith.addi %mul3A_17, %mul3A_36 : i32
      "tpu.region"() ({
        %run_scoped3A = tpu.sem_alloc : memref<!tpu.dma_semaphore, #tpu.memory_space<semaphore_mem>>
        %dma_start3A = tpu.memref_slice %arg4[%add3A_37] : memref<104857600xf32, #tpu.memory_space<hbm>> -> memref<20480xf32, #tpu.memory_space<hbm>>
        %dma_start3A_38 = tpu.memref_slice %arg4[%add3A_37] : memref<104857600xf32, #tpu.memory_space<hbm>> -> memref<20480xf32, #tpu.memory_space<hbm>>
        tpu.enqueue_dma source(%arg8 : memref<20480xf32, #tpu.memory_space<vmem>>) target(%dma_start3A_38 : memref<20480xf32, #tpu.memory_space<hbm>>) target_semaphore(%run_scoped3A : memref<!tpu.dma_semaphore, #tpu.memory_space<semaphore_mem>>)
        %dma_wait3A = tpu.memref_slice %arg4[%add3A_37] : memref<104857600xf32, #tpu.memory_space<hbm>> -> memref<20480xf32, #tpu.memory_space<hbm>>
        %dma_wait3A_39 = tpu.memref_slice %arg4[%add3A_37] : memref<104857600xf32, #tpu.memory_space<hbm>> -> memref<20480xf32, #tpu.memory_space<hbm>>
        tpu.wait_dma2 semaphore(%run_scoped3A : memref<!tpu.dma_semaphore, #tpu.memory_space<semaphore_mem>>) src(%arg8 : memref<20480xf32, #tpu.memory_space<vmem>>) dst(%dma_wait3A_39 : memref<20480xf32, #tpu.memory_space<hbm>>)
        tpu.yield
      }) : () -> ()
    }
    %scan3A_23 = arith.constant 160 : i32
    %barrier3A = arith.constant 0 : index
    tpu.barrier barrier_id(%barrier3A)
    %mul3A_24 = arith.constant 5120 : i32
    %mul3A_25 = arith.muli %arg0, %mul3A_24 : i32
    %add3A_26 = arith.constant 5120 : i32
    %add3A_27 = arith.addi %mul3A_25, %add3A_26 : i32
    %scan3A_28 = arith.constant 0 : i32
    %scan3A_29 = arith.constant 0 : i32
    %scan3A_30 = arith.constant 125 : i32
    %scan3A_31 = arith.addi %scan3A_29, %scan3A_30 : i32
    %scan3A_32 = arith.constant 1 : i32
    scf.for %scan3A_34 = %scan3A_29 to %scan3A_31 step %scan3A_32  : i32 {
      %mul3A_35 = arith.constant 10 : i32
      %mul3A_36 = arith.muli %scan3A_34, %mul3A_35 : i32
      %add3A_37 = arith.constant 0 : i32
      %add3A_38 = arith.addi %mul3A_36, %add3A_37 : i32
      %mul3A_39 = arith.constant 16 : i32
      %mul3A_40 = arith.muli %add3A_38, %mul3A_39 : i32
      %get3A = arith.index_cast %mul3A_40 : i32 to index
      %get3A_41 = tpu.vector_load %arg5[%get3A] {strides = array<i32>} : memref<20000xi32, #tpu.memory_space<vmem>>, vector<16xi32>,
      %get3A_42 = vector.shape_cast %get3A_41 : vector<16xi32> to vector<16xi32>
      %get3A_43 = arith.index_cast %mul3A_40 : i32 to index
      %get3A_44 = tpu.vector_load %arg6[%get3A_43] {strides = array<i32>} : memref<20000xi32, #tpu.memory_space<vmem>>, vector<16xi32>,
      %get3A_45 = vector.shape_cast %get3A_44 : vector<16xi32> to vector<16xi32>
      %mul3A_46 = arith.constant 10240 : i32
      %mul3A_47 = vector.broadcast %mul3A_46 : i32 to vector<16xi32>
      %mul3A_48 = arith.muli %get3A_42, %mul3A_47 : vector<16xi32>
      %add3A_49 = arith.addi %mul3A_48, %get3A_45 : vector<16xi32>
      %ge3A = vector.broadcast %mul3A_25 : i32 to vector<16xi32>
      %ge3A_50 = arith.cmpi sge, %get3A_42, %ge3A : vector<16xi32>
      %lt3A = vector.broadcast %add3A_27 : i32 to vector<16xi32>
      %lt3A_51 = arith.cmpi slt, %get3A_42, %lt3A : vector<16xi32>
      %and3A = arith.andi %ge3A_50, %lt3A_51 : vector<16xi1>
      %jit3A = arith.constant 102400000 : i32
      %broadcast_in_dim3A_52 = vector.broadcast %jit3A : i32 to vector<16xi32>
      %select_n3A = arith.select %and3A, %add3A_49, %broadcast_in_dim3A_52 : vector<16xi1>, vector<16xi32>
      %dma_start3A = arith.constant 0 : i32
      %dma_start3A_53 = tpu.memref_slice %arg4[%dma_start3A] : memref<104857600xf32, #tpu.memory_space<hbm>> -> memref<104857600xf32, #tpu.memory_space<hbm>>
      tpu.enqueue_indirect_dma source(%arg7 : memref<16xf32, #tpu.memory_space<vmem>>) target(%dma_start3A_53 : memref<104857600xf32, #tpu.memory_space<hbm>>) offsets(%select_n3A : vector<16xi32>) semaphore(%arg9 : memref<!tpu.dma_semaphore, #tpu.memory_space<semaphore_mem>>)
      %mul3A_54 = arith.constant 10 : i32
      %mul3A_55 = arith.muli %scan3A_34, %mul3A_54 : i32
      %add3A_56 = arith.constant 1 : i32
      %add3A_57 = arith.addi %mul3A_55, %add3A_56 : i32
      %mul3A_58 = arith.constant 16 : i32
      %mul3A_59 = arith.muli %add3A_57, %mul3A_58 : i32
      %get3A_60 = arith.index_cast %mul3A_59 : i32 to index
      %get3A_61 = tpu.vector_load %arg5[%get3A_60] {strides = array<i32>} : memref<20000xi32, #tpu.memory_space<vmem>>, vector<16xi32>,
      %get3A_62 = vector.shape_cast %get3A_61 : vector<16xi32> to vector<16xi32>
      %get3A_63 = arith.index_cast %mul3A_59 : i32 to index
      %get3A_64 = tpu.vector_load %arg6[%get3A_63] {strides = array<i32>} : memref<20000xi32, #tpu.memory_space<vmem>>, vector<16xi32>,
      %get3A_65 = vector.shape_cast %get3A_64 : vector<16xi32> to vector<16xi32>
      %mul3A_66 = arith.constant 10240 : i32
      %mul3A_67 = vector.broadcast %mul3A_66 : i32 to vector<16xi32>
      %mul3A_68 = arith.muli %get3A_62, %mul3A_67 : vector<16xi32>
      %add3A_69 = arith.addi %mul3A_68, %get3A_65 : vector<16xi32>
      %ge3A_70 = vector.broadcast %mul3A_25 : i32 to vector<16xi32>
      %ge3A_71 = arith.cmpi sge, %get3A_62, %ge3A_70 : vector<16xi32>
      %lt3A_72 = vector.broadcast %add3A_27 : i32 to vector<16xi32>
      %lt3A_73 = arith.cmpi slt, %get3A_62, %lt3A_72 : vector<16xi32>
      %and3A_74 = arith.andi %ge3A_71, %lt3A_73 : vector<16xi1>
      %jit3A_75 = arith.constant 102400000 : i32
      %broadcast_in_dim3A_76 = vector.broadcast %jit3A_75 : i32 to vector<16xi32>
      %select_n3A_77 = arith.select %and3A_74, %add3A_69, %broadcast_in_dim3A_76 : vector<16xi1>, vector<16xi32>
      %dma_start3A_78 = arith.constant 0 : i32
      %dma_start3A_79 = tpu.memref_slice %arg4[%dma_start3A_78] : memref<104857600xf32, #tpu.memory_space<hbm>> -> memref<104857600xf32, #tpu.memory_space<hbm>>
      tpu.enqueue_indirect_dma source(%arg7 : memref<16xf32, #tpu.memory_space<vmem>>) target(%dma_start3A_79 : memref<104857600xf32, #tpu.memory_space<hbm>>) offsets(%select_n3A_77 : vector<16xi32>) semaphore(%arg9 : memref<!tpu.dma_semaphore, #tpu.memory_space<semaphore_mem>>)
      %mul3A_80 = arith.constant 10 : i32
      %mul3A_81 = arith.muli %scan3A_34, %mul3A_80 : i32
      %add3A_82 = arith.constant 2 : i32
      %add3A_83 = arith.addi %mul3A_81, %add3A_82 : i32
      %mul3A_84 = arith.constant 16 : i32
      %mul3A_85 = arith.muli %add3A_83, %mul3A_84 : i32
      %get3A_86 = arith.index_cast %mul3A_85 : i32 to index
      %get3A_87 = tpu.vector_load %arg5[%get3A_86] {strides = array<i32>} : memref<20000xi32, #tpu.memory_space<vmem>>, vector<16xi32>,
      %get3A_88 = vector.shape_cast %get3A_87 : vector<16xi32> to vector<16xi32>
      %get3A_89 = arith.index_cast %mul3A_85 : i32 to index
      %get3A_90 = tpu.vector_load %arg6[%get3A_89] {strides = array<i32>} : memref<20000xi32, #tpu.memory_space<vmem>>, vector<16xi32>,
      %get3A_91 = vector.shape_cast %get3A_90 : vector<16xi32> to vector<16xi32>
      %mul3A_92 = arith.constant 10240 : i32
      %mul3A_93 = vector.broadcast %mul3A_92 : i32 to vector<16xi32>
      %mul3A_94 = arith.muli %get3A_88, %mul3A_93 : vector<16xi32>
      %add3A_95 = arith.addi %mul3A_94, %get3A_91 : vector<16xi32>
      %ge3A_96 = vector.broadcast %mul3A_25 : i32 to vector<16xi32>
      %ge3A_97 = arith.cmpi sge, %get3A_88, %ge3A_96 : vector<16xi32>
      %lt3A_98 = vector.broadcast %add3A_27 : i32 to vector<16xi32>
      %lt3A_99 = arith.cmpi slt, %get3A_88, %lt3A_98 : vector<16xi32>
      %and3A_100 = arith.andi %ge3A_97, %lt3A_99 : vector<16xi1>
      %jit3A_101 = arith.constant 102400000 : i32
      %broadcast_in_dim3A_102 = vector.broadcast %jit3A_101 : i32 to vector<16xi32>
      %select_n3A_103 = arith.select %and3A_100, %add3A_95, %broadcast_in_dim3A_102 : vector<16xi1>, vector<16xi32>
      %dma_start3A_104 = arith.constant 0 : i32
      %dma_start3A_105 = tpu.memref_slice %arg4[%dma_start3A_104] : memref<104857600xf32, #tpu.memory_space<hbm>> -> memref<104857600xf32, #tpu.memory_space<hbm>>
      tpu.enqueue_indirect_dma source(%arg7 : memref<16xf32, #tpu.memory_space<vmem>>) target(%dma_start3A_105 : memref<104857600xf32, #tpu.memory_space<hbm>>) offsets(%select_n3A_103 : vector<16xi32>) semaphore(%arg9 : memref<!tpu.dma_semaphore, #tpu.memory_space<semaphore_mem>>)
      %mul3A_106 = arith.constant 10 : i32
      %mul3A_107 = arith.muli %scan3A_34, %mul3A_106 : i32
      %add3A_108 = arith.constant 3 : i32
      %add3A_109 = arith.addi %mul3A_107, %add3A_108 : i32
      %mul3A_110 = arith.constant 16 : i32
      %mul3A_111 = arith.muli %add3A_109, %mul3A_110 : i32
      %get3A_112 = arith.index_cast %mul3A_111 : i32 to index
      %get3A_113 = tpu.vector_load %arg5[%get3A_112] {strides = array<i32>} : memref<20000xi32, #tpu.memory_space<vmem>>, vector<16xi32>,
      %get3A_114 = vector.shape_cast %get3A_113 : vector<16xi32> to vector<16xi32>
      %get3A_115 = arith.index_cast %mul3A_111 : i32 to index
      %get3A_116 = tpu.vector_load %arg6[%get3A_115] {strides = array<i32>} : memref<20000xi32, #tpu.memory_space<vmem>>, vector<16xi32>,
      %get3A_117 = vector.shape_cast %get3A_116 : vector<16xi32> to vector<16xi32>
      %mul3A_118 = arith.constant 10240 : i32
      %mul3A_119 = vector.broadcast %mul3A_118 : i32 to vector<16xi32>
      %mul3A_120 = arith.muli %get3A_114, %mul3A_119 : vector<16xi32>
      %add3A_121 = arith.addi %mul3A_120, %get3A_117 : vector<16xi32>
      %ge3A_122 = vector.broadcast %mul3A_25 : i32 to vector<16xi32>
      %ge3A_123 = arith.cmpi sge, %get3A_114, %ge3A_122 : vector<16xi32>
      %lt3A_124 = vector.broadcast %add3A_27 : i32 to vector<16xi32>
      %lt3A_125 = arith.cmpi slt, %get3A_114, %lt3A_124 : vector<16xi32>
      %and3A_126 = arith.andi %ge3A_123, %lt3A_125 : vector<16xi1>
      %jit3A_127 = arith.constant 102400000 : i32
      %broadcast_in_dim3A_128 = vector.broadcast %jit3A_127 : i32 to vector<16xi32>
      %select_n3A_129 = arith.select %and3A_126, %add3A_121, %broadcast_in_dim3A_128 : vector<16xi1>, vector<16xi32>
      %dma_start3A_130 = arith.constant 0 : i32
      %dma_start3A_131 = tpu.memref_slice %arg4[%dma_start3A_130] : memref<104857600xf32, #tpu.memory_space<hbm>> -> memref<104857600xf32, #tpu.memory_space<hbm>>
      tpu.enqueue_indirect_dma source(%arg7 : memref<16xf32, #tpu.memory_space<vmem>>) target(%dma_start3A_131 : memref<104857600xf32, #tpu.memory_space<hbm>>) offsets(%select_n3A_129 : vector<16xi32>) semaphore(%arg9 : memref<!tpu.dma_semaphore, #tpu.memory_space<semaphore_mem>>)
      %mul3A_132 = arith.constant 10 : i32
      %mul3A_133 = arith.muli %scan3A_34, %mul3A_132 : i32
      %add3A_134 = arith.constant 4 : i32
      %add3A_135 = arith.addi %mul3A_133, %add3A_134 : i32
      %mul3A_136 = arith.constant 16 : i32
      %mul3A_137 = arith.muli %add3A_135, %mul3A_136 : i32
      %get3A_138 = arith.index_cast %mul3A_137 : i32 to index
      %get3A_139 = tpu.vector_load %arg5[%get3A_138] {strides = array<i32>} : memref<20000xi32, #tpu.memory_space<vmem>>, vector<16xi32>,
      %get3A_140 = vector.shape_cast %get3A_139 : vector<16xi32> to vector<16xi32>
      %get3A_141 = arith.index_cast %mul3A_137 : i32 to index
      %get3A_142 = tpu.vector_load %arg6[%get3A_141] {strides = array<i32>} : memref<20000xi32, #tpu.memory_space<vmem>>, vector<16xi32>,
      %get3A_143 = vector.shape_cast %get3A_142 : vector<16xi32> to vector<16xi32>
      %mul3A_144 = arith.constant 10240 : i32
      %mul3A_145 = vector.broadcast %mul3A_144 : i32 to vector<16xi32>
      %mul3A_146 = arith.muli %get3A_140, %mul3A_145 : vector<16xi32>
      %add3A_147 = arith.addi %mul3A_146, %get3A_143 : vector<16xi32>
      %ge3A_148 = vector.broadcast %mul3A_25 : i32 to vector<16xi32>
      %ge3A_149 = arith.cmpi sge, %get3A_140, %ge3A_148 : vector<16xi32>
      %lt3A_150 = vector.broadcast %add3A_27 : i32 to vector<16xi32>
      %lt3A_151 = arith.cmpi slt, %get3A_140, %lt3A_150 : vector<16xi32>
      %and3A_152 = arith.andi %ge3A_149, %lt3A_151 : vector<16xi1>
      %jit3A_153 = arith.constant 102400000 : i32
      %broadcast_in_dim3A_154 = vector.broadcast %jit3A_153 : i32 to vector<16xi32>
      %select_n3A_155 = arith.select %and3A_152, %add3A_147, %broadcast_in_dim3A_154 : vector<16xi1>, vector<16xi32>
      %dma_start3A_156 = arith.constant 0 : i32
      %dma_start3A_157 = tpu.memref_slice %arg4[%dma_start3A_156] : memref<104857600xf32, #tpu.memory_space<hbm>> -> memref<104857600xf32, #tpu.memory_space<hbm>>
      tpu.enqueue_indirect_dma source(%arg7 : memref<16xf32, #tpu.memory_space<vmem>>) target(%dma_start3A_157 : memref<104857600xf32, #tpu.memory_space<hbm>>) offsets(%select_n3A_155 : vector<16xi32>) semaphore(%arg9 : memref<!tpu.dma_semaphore, #tpu.memory_space<semaphore_mem>>)
      %mul3A_158 = arith.constant 10 : i32
      %mul3A_159 = arith.muli %scan3A_34, %mul3A_158 : i32
      %add3A_160 = arith.constant 5 : i32
      %add3A_161 = arith.addi %mul3A_159, %add3A_160 : i32
      %mul3A_162 = arith.constant 16 : i32
      %mul3A_163 = arith.muli %add3A_161, %mul3A_162 : i32
      %get3A_164 = arith.index_cast %mul3A_163 : i32 to index
      %get3A_165 = tpu.vector_load %arg5[%get3A_164] {strides = array<i32>} : memref<20000xi32, #tpu.memory_space<vmem>>, vector<16xi32>,
      %get3A_166 = vector.shape_cast %get3A_165 : vector<16xi32> to vector<16xi32>
      %get3A_167 = arith.index_cast %mul3A_163 : i32 to index
      %get3A_168 = tpu.vector_load %arg6[%get3A_167] {strides = array<i32>} : memref<20000xi32, #tpu.memory_space<vmem>>, vector<16xi32>,
      %get3A_169 = vector.shape_cast %get3A_168 : vector<16xi32> to vector<16xi32>
      %mul3A_170 = arith.constant 10240 : i32
      %mul3A_171 = vector.broadcast %mul3A_170 : i32 to vector<16xi32>
      %mul3A_172 = arith.muli %get3A_166, %mul3A_171 : vector<16xi32>
      %add3A_173 = arith.addi %mul3A_172, %get3A_169 : vector<16xi32>
      %ge3A_174 = vector.broadcast %mul3A_25 : i32 to vector<16xi32>
      %ge3A_175 = arith.cmpi sge, %get3A_166, %ge3A_174 : vector<16xi32>
      %lt3A_176 = vector.broadcast %add3A_27 : i32 to vector<16xi32>
      %lt3A_177 = arith.cmpi slt, %get3A_166, %lt3A_176 : vector<16xi32>
      %and3A_178 = arith.andi %ge3A_175, %lt3A_177 : vector<16xi1>
      %jit3A_179 = arith.constant 102400000 : i32
      %broadcast_in_dim3A_180 = vector.broadcast %jit3A_179 : i32 to vector<16xi32>
      %select_n3A_181 = arith.select %and3A_178, %add3A_173, %broadcast_in_dim3A_180 : vector<16xi1>, vector<16xi32>
      %dma_start3A_182 = arith.constant 0 : i32
      %dma_start3A_183 = tpu.memref_slice %arg4[%dma_start3A_182] : memref<104857600xf32, #tpu.memory_space<hbm>> -> memref<104857600xf32, #tpu.memory_space<hbm>>
      tpu.enqueue_indirect_dma source(%arg7 : memref<16xf32, #tpu.memory_space<vmem>>) target(%dma_start3A_183 : memref<104857600xf32, #tpu.memory_space<hbm>>) offsets(%select_n3A_181 : vector<16xi32>) semaphore(%arg9 : memref<!tpu.dma_semaphore, #tpu.memory_space<semaphore_mem>>)
      %mul3A_184 = arith.constant 10 : i32
      %mul3A_185 = arith.muli %scan3A_34, %mul3A_184 : i32
      %add3A_186 = arith.constant 6 : i32
      %add3A_187 = arith.addi %mul3A_185, %add3A_186 : i32
      %mul3A_188 = arith.constant 16 : i32
      %mul3A_189 = arith.muli %add3A_187, %mul3A_188 : i32
      %get3A_190 = arith.index_cast %mul3A_189 : i32 to index
      %get3A_191 = tpu.vector_load %arg5[%get3A_190] {strides = array<i32>} : memref<20000xi32, #tpu.memory_space<vmem>>, vector<16xi32>,
      %get3A_192 = vector.shape_cast %get3A_191 : vector<16xi32> to vector<16xi32>
      %get3A_193 = arith.index_cast %mul3A_189 : i32 to index
      %get3A_194 = tpu.vector_load %arg6[%get3A_193] {strides = array<i32>} : memref<20000xi32, #tpu.memory_space<vmem>>, vector<16xi32>,
      %get3A_195 = vector.shape_cast %get3A_194 : vector<16xi32> to vector<16xi32>
      %mul3A_196 = arith.constant 10240 : i32
      %mul3A_197 = vector.broadcast %mul3A_196 : i32 to vector<16xi32>
      %mul3A_198 = arith.muli %get3A_192, %mul3A_197 : vector<16xi32>
      %add3A_199 = arith.addi %mul3A_198, %get3A_195 : vector<16xi32>
      %ge3A_200 = vector.broadcast %mul3A_25 : i32 to vector<16xi32>
      %ge3A_201 = arith.cmpi sge, %get3A_192, %ge3A_200 : vector<16xi32>
      %lt3A_202 = vector.broadcast %add3A_27 : i32 to vector<16xi32>
      %lt3A_203 = arith.cmpi slt, %get3A_192, %lt3A_202 : vector<16xi32>
      %and3A_204 = arith.andi %ge3A_201, %lt3A_203 : vector<16xi1>
      %jit3A_205 = arith.constant 102400000 : i32
      %broadcast_in_dim3A_206 = vector.broadcast %jit3A_205 : i32 to vector<16xi32>
      %select_n3A_207 = arith.select %and3A_204, %add3A_199, %broadcast_in_dim3A_206 : vector<16xi1>, vector<16xi32>
      %dma_start3A_208 = arith.constant 0 : i32
      %dma_start3A_209 = tpu.memref_slice %arg4[%dma_start3A_208] : memref<104857600xf32, #tpu.memory_space<hbm>> -> memref<104857600xf32, #tpu.memory_space<hbm>>
      tpu.enqueue_indirect_dma source(%arg7 : memref<16xf32, #tpu.memory_space<vmem>>) target(%dma_start3A_209 : memref<104857600xf32, #tpu.memory_space<hbm>>) offsets(%select_n3A_207 : vector<16xi32>) semaphore(%arg9 : memref<!tpu.dma_semaphore, #tpu.memory_space<semaphore_mem>>)
      %mul3A_210 = arith.constant 10 : i32
      %mul3A_211 = arith.muli %scan3A_34, %mul3A_210 : i32
      %add3A_212 = arith.constant 7 : i32
      %add3A_213 = arith.addi %mul3A_211, %add3A_212 : i32
      %mul3A_214 = arith.constant 16 : i32
      %mul3A_215 = arith.muli %add3A_213, %mul3A_214 : i32
      %get3A_216 = arith.index_cast %mul3A_215 : i32 to index
      %get3A_217 = tpu.vector_load %arg5[%get3A_216] {strides = array<i32>} : memref<20000xi32, #tpu.memory_space<vmem>>, vector<16xi32>,
      %get3A_218 = vector.shape_cast %get3A_217 : vector<16xi32> to vector<16xi32>
      %get3A_219 = arith.index_cast %mul3A_215 : i32 to index
      %get3A_220 = tpu.vector_load %arg6[%get3A_219] {strides = array<i32>} : memref<20000xi32, #tpu.memory_space<vmem>>, vector<16xi32>,
      %get3A_221 = vector.shape_cast %get3A_220 : vector<16xi32> to vector<16xi32>
      %mul3A_222 = arith.constant 10240 : i32
      %mul3A_223 = vector.broadcast %mul3A_222 : i32 to vector<16xi32>
      %mul3A_224 = arith.muli %get3A_218, %mul3A_223 : vector<16xi32>
      %add3A_225 = arith.addi %mul3A_224, %get3A_221 : vector<16xi32>
      %ge3A_226 = vector.broadcast %mul3A_25 : i32 to vector<16xi32>
      %ge3A_227 = arith.cmpi sge, %get3A_218, %ge3A_226 : vector<16xi32>
      %lt3A_228 = vector.broadcast %add3A_27 : i32 to vector<16xi32>
      %lt3A_229 = arith.cmpi slt, %get3A_218, %lt3A_228 : vector<16xi32>
      %and3A_230 = arith.andi %ge3A_227, %lt3A_229 : vector<16xi1>
      %jit3A_231 = arith.constant 102400000 : i32
      %broadcast_in_dim3A_232 = vector.broadcast %jit3A_231 : i32 to vector<16xi32>
      %select_n3A_233 = arith.select %and3A_230, %add3A_225, %broadcast_in_dim3A_232 : vector<16xi1>, vector<16xi32>
      %dma_start3A_234 = arith.constant 0 : i32
      %dma_start3A_235 = tpu.memref_slice %arg4[%dma_start3A_234] : memref<104857600xf32, #tpu.memory_space<hbm>> -> memref<104857600xf32, #tpu.memory_space<hbm>>
      tpu.enqueue_indirect_dma source(%arg7 : memref<16xf32, #tpu.memory_space<vmem>>) target(%dma_start3A_235 : memref<104857600xf32, #tpu.memory_space<hbm>>) offsets(%select_n3A_233 : vector<16xi32>) semaphore(%arg9 : memref<!tpu.dma_semaphore, #tpu.memory_space<semaphore_mem>>)
      %mul3A_236 = arith.constant 10 : i32
      %mul3A_237 = arith.muli %scan3A_34, %mul3A_236 : i32
      %add3A_238 = arith.constant 8 : i32
      %add3A_239 = arith.addi %mul3A_237, %add3A_238 : i32
      %mul3A_240 = arith.constant 16 : i32
      %mul3A_241 = arith.muli %add3A_239, %mul3A_240 : i32
      %get3A_242 = arith.index_cast %mul3A_241 : i32 to index
      %get3A_243 = tpu.vector_load %arg5[%get3A_242] {strides = array<i32>} : memref<20000xi32, #tpu.memory_space<vmem>>, vector<16xi32>,
      %get3A_244 = vector.shape_cast %get3A_243 : vector<16xi32> to vector<16xi32>
      %get3A_245 = arith.index_cast %mul3A_241 : i32 to index
      %get3A_246 = tpu.vector_load %arg6[%get3A_245] {strides = array<i32>} : memref<20000xi32, #tpu.memory_space<vmem>>, vector<16xi32>,
      %get3A_247 = vector.shape_cast %get3A_246 : vector<16xi32> to vector<16xi32>
      %mul3A_248 = arith.constant 10240 : i32
      %mul3A_249 = vector.broadcast %mul3A_248 : i32 to vector<16xi32>
      %mul3A_250 = arith.muli %get3A_244, %mul3A_249 : vector<16xi32>
      %add3A_251 = arith.addi %mul3A_250, %get3A_247 : vector<16xi32>
      %ge3A_252 = vector.broadcast %mul3A_25 : i32 to vector<16xi32>
      %ge3A_253 = arith.cmpi sge, %get3A_244, %ge3A_252 : vector<16xi32>
      %lt3A_254 = vector.broadcast %add3A_27 : i32 to vector<16xi32>
      %lt3A_255 = arith.cmpi slt, %get3A_244, %lt3A_254 : vector<16xi32>
      %and3A_256 = arith.andi %ge3A_253, %lt3A_255 : vector<16xi1>
      %jit3A_257 = arith.constant 102400000 : i32
      %broadcast_in_dim3A_258 = vector.broadcast %jit3A_257 : i32 to vector<16xi32>
      %select_n3A_259 = arith.select %and3A_256, %add3A_251, %broadcast_in_dim3A_258 : vector<16xi1>, vector<16xi32>
      %dma_start3A_260 = arith.constant 0 : i32
      %dma_start3A_261 = tpu.memref_slice %arg4[%dma_start3A_260] : memref<104857600xf32, #tpu.memory_space<hbm>> -> memref<104857600xf32, #tpu.memory_space<hbm>>
      tpu.enqueue_indirect_dma source(%arg7 : memref<16xf32, #tpu.memory_space<vmem>>) target(%dma_start3A_261 : memref<104857600xf32, #tpu.memory_space<hbm>>) offsets(%select_n3A_259 : vector<16xi32>) semaphore(%arg9 : memref<!tpu.dma_semaphore, #tpu.memory_space<semaphore_mem>>)
      %mul3A_262 = arith.constant 10 : i32
      %mul3A_263 = arith.muli %scan3A_34, %mul3A_262 : i32
      %add3A_264 = arith.constant 9 : i32
      %add3A_265 = arith.addi %mul3A_263, %add3A_264 : i32
      %mul3A_266 = arith.constant 16 : i32
      %mul3A_267 = arith.muli %add3A_265, %mul3A_266 : i32
      %get3A_268 = arith.index_cast %mul3A_267 : i32 to index
      %get3A_269 = tpu.vector_load %arg5[%get3A_268] {strides = array<i32>} : memref<20000xi32, #tpu.memory_space<vmem>>, vector<16xi32>,
      %get3A_270 = vector.shape_cast %get3A_269 : vector<16xi32> to vector<16xi32>
      %get3A_271 = arith.index_cast %mul3A_267 : i32 to index
      %get3A_272 = tpu.vector_load %arg6[%get3A_271] {strides = array<i32>} : memref<20000xi32, #tpu.memory_space<vmem>>, vector<16xi32>,
      %get3A_273 = vector.shape_cast %get3A_272 : vector<16xi32> to vector<16xi32>
      %mul3A_274 = arith.constant 10240 : i32
      %mul3A_275 = vector.broadcast %mul3A_274 : i32 to vector<16xi32>
      %mul3A_276 = arith.muli %get3A_270, %mul3A_275 : vector<16xi32>
      %add3A_277 = arith.addi %mul3A_276, %get3A_273 : vector<16xi32>
      %ge3A_278 = vector.broadcast %mul3A_25 : i32 to vector<16xi32>
      %ge3A_279 = arith.cmpi sge, %get3A_270, %ge3A_278 : vector<16xi32>
      %lt3A_280 = vector.broadcast %add3A_27 : i32 to vector<16xi32>
      %lt3A_281 = arith.cmpi slt, %get3A_270, %lt3A_280 : vector<16xi32>
      %and3A_282 = arith.andi %ge3A_279, %lt3A_281 : vector<16xi1>
      %jit3A_283 = arith.constant 102400000 : i32
      %broadcast_in_dim3A_284 = vector.broadcast %jit3A_283 : i32 to vector<16xi32>
      %select_n3A_285 = arith.select %and3A_282, %add3A_277, %broadcast_in_dim3A_284 : vector<16xi1>, vector<16xi32>
      %dma_start3A_286 = arith.constant 0 : i32
      %dma_start3A_287 = tpu.memref_slice %arg4[%dma_start3A_286] : memref<104857600xf32, #tpu.memory_space<hbm>> -> memref<104857600xf32, #tpu.memory_space<hbm>>
      tpu.enqueue_indirect_dma source(%arg7 : memref<16xf32, #tpu.memory_space<vmem>>) target(%dma_start3A_287 : memref<104857600xf32, #tpu.memory_space<hbm>>) offsets(%select_n3A_285 : vector<16xi32>) semaphore(%arg9 : memref<!tpu.dma_semaphore, #tpu.memory_space<semaphore_mem>>)
      %dma_wait3A = arith.constant 0 : i32
      %dma_wait3A_288 = tpu.memref_slice %arg4[%dma_wait3A] : memref<104857600xf32, #tpu.memory_space<hbm>> -> memref<104857600xf32, #tpu.memory_space<hbm>>
      tpu.wait_indirect_dma semaphore(%arg9 : memref<!tpu.dma_semaphore, #tpu.memory_space<semaphore_mem>>) src(%arg7 : memref<16xf32, #tpu.memory_space<vmem>>) dst(%dma_wait3A_288 : memref<104857600xf32, #tpu.memory_space<hbm>>)
      %dma_wait3A_289 = arith.constant 0 : i32
      %dma_wait3A_290 = tpu.memref_slice %arg4[%dma_wait3A_289] : memref<104857600xf32, #tpu.memory_space<hbm>> -> memref<104857600xf32, #tpu.memory_space<hbm>>
      tpu.wait_indirect_dma semaphore(%arg9 : memref<!tpu.dma_semaphore, #tpu.memory_space<semaphore_mem>>) src(%arg7 : memref<16xf32, #tpu.memory_space<vmem>>) dst(%dma_wait3A_290 : memref<104857600xf32, #tpu.memory_space<hbm>>)
      %dma_wait3A_291 = arith.constant 0 : i32
      %dma_wait3A_292 = tpu.memref_slice %arg4[%dma_wait3A_291] : memref<104857600xf32, #tpu.memory_space<hbm>> -> memref<104857600xf32, #tpu.memory_space<hbm>>
      tpu.wait_indirect_dma semaphore(%arg9 : memref<!tpu.dma_semaphore, #tpu.memory_space<semaphore_mem>>) src(%arg7 : memref<16xf32, #tpu.memory_space<vmem>>) dst(%dma_wait3A_292 : memref<104857600xf32, #tpu.memory_space<hbm>>)
      %dma_wait3A_293 = arith.constant 0 : i32
      %dma_wait3A_294 = tpu.memref_slice %arg4[%dma_wait3A_293] : memref<104857600xf32, #tpu.memory_space<hbm>> -> memref<104857600xf32, #tpu.memory_space<hbm>>
      tpu.wait_indirect_dma semaphore(%arg9 : memref<!tpu.dma_semaphore, #tpu.memory_space<semaphore_mem>>) src(%arg7 : memref<16xf32, #tpu.memory_space<vmem>>) dst(%dma_wait3A_294 : memref<104857600xf32, #tpu.memory_space<hbm>>)
      %dma_wait3A_295 = arith.constant 0 : i32
      %dma_wait3A_296 = tpu.memref_slice %arg4[%dma_wait3A_295] : memref<104857600xf32, #tpu.memory_space<hbm>> -> memref<104857600xf32, #tpu.memory_space<hbm>>
      tpu.wait_indirect_dma semaphore(%arg9 : memref<!tpu.dma_semaphore, #tpu.memory_space<semaphore_mem>>) src(%arg7 : memref<16xf32, #tpu.memory_space<vmem>>) dst(%dma_wait3A_296 : memref<104857600xf32, #tpu.memory_space<hbm>>)
      %dma_wait3A_297 = arith.constant 0 : i32
      %dma_wait3A_298 = tpu.memref_slice %arg4[%dma_wait3A_297] : memref<104857600xf32, #tpu.memory_space<hbm>> -> memref<104857600xf32, #tpu.memory_space<hbm>>
      tpu.wait_indirect_dma semaphore(%arg9 : memref<!tpu.dma_semaphore, #tpu.memory_space<semaphore_mem>>) src(%arg7 : memref<16xf32, #tpu.memory_space<vmem>>) dst(%dma_wait3A_298 : memref<104857600xf32, #tpu.memory_space<hbm>>)
      %dma_wait3A_299 = arith.constant 0 : i32
      %dma_wait3A_300 = tpu.memref_slice %arg4[%dma_wait3A_299] : memref<104857600xf32, #tpu.memory_space<hbm>> -> memref<104857600xf32, #tpu.memory_space<hbm>>
      tpu.wait_indirect_dma semaphore(%arg9 : memref<!tpu.dma_semaphore, #tpu.memory_space<semaphore_mem>>) src(%arg7 : memref<16xf32, #tpu.memory_space<vmem>>) dst(%dma_wait3A_300 : memref<104857600xf32, #tpu.memory_space<hbm>>)
      %dma_wait3A_301 = arith.constant 0 : i32
      %dma_wait3A_302 = tpu.memref_slice %arg4[%dma_wait3A_301] : memref<104857600xf32, #tpu.memory_space<hbm>> -> memref<104857600xf32, #tpu.memory_space<hbm>>
      tpu.wait_indirect_dma semaphore(%arg9 : memref<!tpu.dma_semaphore, #tpu.memory_space<semaphore_mem>>) src(%arg7 : memref<16xf32, #tpu.memory_space<vmem>>) dst(%dma_wait3A_302 : memref<104857600xf32, #tpu.memory_space<hbm>>)
      %dma_wait3A_303 = arith.constant 0 : i32
      %dma_wait3A_304 = tpu.memref_slice %arg4[%dma_wait3A_303] : memref<104857600xf32, #tpu.memory_space<hbm>> -> memref<104857600xf32, #tpu.memory_space<hbm>>
      tpu.wait_indirect_dma semaphore(%arg9 : memref<!tpu.dma_semaphore, #tpu.memory_space<semaphore_mem>>) src(%arg7 : memref<16xf32, #tpu.memory_space<vmem>>) dst(%dma_wait3A_304 : memref<104857600xf32, #tpu.memory_space<hbm>>)
      %dma_wait3A_305 = arith.constant 0 : i32
      %dma_wait3A_306 = tpu.memref_slice %arg4[%dma_wait3A_305] : memref<104857600xf32, #tpu.memory_space<hbm>> -> memref<104857600xf32, #tpu.memory_space<hbm>>
      tpu.wait_indirect_dma semaphore(%arg9 : memref<!tpu.dma_semaphore, #tpu.memory_space<semaphore_mem>>) src(%arg7 : memref<16xf32, #tpu.memory_space<vmem>>) dst(%dma_wait3A_306 : memref<104857600xf32, #tpu.memory_space<hbm>>)
    }
    %scan3A_33 = arith.constant 125 : i32
    return
  }
}

module attributes {stable_mosaic.version = 14 : i64} {
  func.func @_spmm_body(%arg0: i32, %arg1: i32, %arg2: memref<512x2048xf32, #tpu.memory_space<vmem>>, %arg3: memref<512x2048xf32, #tpu.memory_space<vmem>>, %arg4: memref<2048x128xf32, #tpu.memory_space<vmem>>, %arg5: memref<128x128xf32, #tpu.memory_space<vmem>>, %arg6: memref<1x128xf32, #tpu.memory_space<vmem>>, %arg7: memref<512x128xf32, #tpu.memory_space<vmem>>) attributes {dimension_semantics = [#tpu.dimension_semantics<parallel>, #tpu.dimension_semantics<arbitrary>], iteration_bounds = array<i64: 8, 5>, scalar_prefetch = 0 : i64, scratch_operands = 0 : i64, tpu.core_type = #tpu.core_type<tc>, window_params = [{transform_indices = @transform_0, window_bounds = array<i64: 512, 2048>}, {transform_indices = @transform_1, window_bounds = array<i64: 512, 2048>}, {transform_indices = @transform_2, window_bounds = array<i64: 2048, 128>}, {pipeline_mode = #tpu.pipeline_mode<synchronous>, transform_indices = @transform_3, window_bounds = array<i64: 128, 128>}, {pipeline_mode = #tpu.pipeline_mode<synchronous>, transform_indices = @transform_4, window_bounds = array<i64: 1, 128>}, {transform_indices = @transform_5, window_bounds = array<i64: 512, 128>}]} {
    %eq3A = arith.constant 0 : i32
    %eq3A_0 = arith.cmpi eq, %arg1, %eq3A : i32
    %convert_element_type3A = arith.extui %eq3A_0 : i1 to i32
    %cond3A = arith.constant 0 : i32
    %cond3A_1 = arith.cmpi ne, %convert_element_type3A, %cond3A : i32
    scf.if %cond3A_1 {
      %broadcast_in_dim3A = arith.constant 0.000000e+00 : f32
      %broadcast_in_dim3A_27 = vector.broadcast %broadcast_in_dim3A : f32 to vector<512x128xf32>
      %swap3A_28 = arith.constant 0 : index
      %swap3A_29 = arith.constant 0 : index
      %swap3A_30 = vector.load %arg7[%swap3A_28, %swap3A_29] : memref<512x128xf32, #tpu.memory_space<vmem>>, vector<512x128xf32>
      tpu.vector_store %arg7[%swap3A_28, %swap3A_29], %broadcast_in_dim3A_27 {strides = array<i32>} : memref<512x128xf32, #tpu.memory_space<vmem>>, vector<512x128xf32>,
    } else {
    }
    %get3A = arith.constant 0 : index
    %get3A_2 = arith.constant 0 : index
    %get3A_3 = vector.load %arg4[%get3A, %get3A_2] : memref<2048x128xf32, #tpu.memory_space<vmem>>, vector<2048x128xf32>
    %get3A_4 = arith.constant 0 : index
    %get3A_5 = arith.constant 0 : index
    %get3A_6 = vector.load %arg5[%get3A_4, %get3A_5] : memref<128x128xf32, #tpu.memory_space<vmem>>, vector<128x128xf32>
    %dot_general3A = arith.constant dense<0.000000e+00> : vector<2048x128xf32>
    %dot_general3A_7 = tpu.matmul %get3A_3, %get3A_6, %dot_general3A {dimension_numbers = #tpu.dot_dimension_numbers<[1], [0], [0], [1], [0, 0, 1, 1], [], []>, transpose_lhs_hint = false} : vector<2048x128xf32>, vector<128x128xf32>, vector<2048x128xf32> -> vector<2048x128xf32>
    %add3A = arith.addf %get3A_3, %dot_general3A_7 : vector<2048x128xf32>
    %get3A_8 = arith.constant 0 : index
    %get3A_9 = arith.constant 0 : index
    %get3A_10 = vector.load %arg6[%get3A_8, %get3A_9] : memref<1x128xf32, #tpu.memory_space<vmem>>, vector<1x128xf32>
    %add3A_11 = vector.broadcast %get3A_10 : vector<1x128xf32> to vector<2048x128xf32>
    %add3A_12 = arith.addf %add3A, %add3A_11 : vector<2048x128xf32>
    %get3A_13 = arith.constant 0 : index
    %get3A_14 = arith.constant 0 : index
    %get3A_15 = vector.load %arg2[%get3A_13, %get3A_14] : memref<512x2048xf32, #tpu.memory_space<vmem>>, vector<512x2048xf32>
    %get3A_16 = arith.constant 0 : index
    %get3A_17 = arith.constant 0 : index
    %get3A_18 = vector.load %arg3[%get3A_16, %get3A_17] : memref<512x2048xf32, #tpu.memory_space<vmem>>, vector<512x2048xf32>
    %mul3A = arith.mulf %get3A_15, %get3A_18 : vector<512x2048xf32>
    %get3A_19 = arith.constant 0 : index
    %get3A_20 = arith.constant 0 : index
    %get3A_21 = vector.load %arg7[%get3A_19, %get3A_20] : memref<512x128xf32, #tpu.memory_space<vmem>>, vector<512x128xf32>
    %dot_general3A_22 = arith.constant dense<0.000000e+00> : vector<512x128xf32>
    %dot_general3A_23 = tpu.matmul %mul3A, %add3A_12, %dot_general3A_22 {dimension_numbers = #tpu.dot_dimension_numbers<[1], [0], [0], [1], [0, 0, 1, 1], [], []>, transpose_lhs_hint = false} : vector<512x2048xf32>, vector<2048x128xf32>, vector<512x128xf32> -> vector<512x128xf32>
    %add3A_24 = arith.addf %get3A_21, %dot_general3A_23 : vector<512x128xf32>
    %swap3A = arith.constant 0 : index
    %swap3A_25 = arith.constant 0 : index
    %swap3A_26 = vector.load %arg7[%swap3A, %swap3A_25] : memref<512x128xf32, #tpu.memory_space<vmem>>, vector<512x128xf32>
    tpu.vector_store %arg7[%swap3A, %swap3A_25], %add3A_24 {strides = array<i32>} : memref<512x128xf32, #tpu.memory_space<vmem>>, vector<512x128xf32>,
    return
  }
  func.func @transform_0(%arg0: i32, %arg1: i32) -> (i32, i32) {
    %c0_i32 = arith.constant 0 : i32
    return %arg0, %arg1 : i32, i32
  }
  func.func @transform_1(%arg0: i32, %arg1: i32) -> (i32, i32) {
    %c0_i32 = arith.constant 0 : i32
    return %arg0, %arg1 : i32, i32
  }
  func.func @transform_2(%arg0: i32, %arg1: i32) -> (i32, i32) {
    %c0_i32 = arith.constant 0 : i32
    %c0_i32_0 = arith.constant 0 : i32
    return %arg1, %c0_i32 : i32, i32
  }
  func.func @transform_3(%arg0: i32, %arg1: i32) -> (i32, i32) {
    %c0_i32 = arith.constant 0 : i32
    %c0_i32_0 = arith.constant 0 : i32
    %c0_i32_1 = arith.constant 0 : i32
    return %c0_i32, %c0_i32_0 : i32, i32
  }
  func.func @transform_4(%arg0: i32, %arg1: i32) -> (i32, i32) {
    %c0_i32 = arith.constant 0 : i32
    %c0_i32_0 = arith.constant 0 : i32
    %c0_i32_1 = arith.constant 0 : i32
    return %c0_i32, %c0_i32_0 : i32, i32
  }
  func.func @transform_5(%arg0: i32, %arg1: i32) -> (i32, i32) {
    %c0_i32 = arith.constant 0 : i32
    %c0_i32_0 = arith.constant 0 : i32
    return %arg0, %c0_i32 : i32, i32
  }
}

module attributes {stable_mosaic.version = 14 : i64} {
  func.func @_mlp_body(%arg0: i32, %arg1: memref<512x128xf32, #tpu.memory_space<vmem>>, %arg2: memref<512x128xf32, #tpu.memory_space<vmem>>, %arg3: memref<512x128xf32, #tpu.memory_space<vmem>>, %arg4: memref<128x128xf32, #tpu.memory_space<vmem>>, %arg5: memref<1x128xf32, #tpu.memory_space<vmem>>, %arg6: memref<128x128xf32, #tpu.memory_space<vmem>>, %arg7: memref<1x128xf32, #tpu.memory_space<vmem>>, %arg8: memref<128x128xf32, #tpu.memory_space<vmem>>, %arg9: memref<1x128xf32, #tpu.memory_space<vmem>>, %arg10: memref<128x128xf32, #tpu.memory_space<vmem>>, %arg11: memref<1x128xf32, #tpu.memory_space<vmem>>, %arg12: memref<128x1xf32, #tpu.memory_space<vmem>>, %arg13: memref<1x1xf32, #tpu.memory_space<vmem>>, %arg14: memref<1x1xf32, #tpu.memory_space<vmem>>, %arg15: memref<1x1xf32, #tpu.memory_space<vmem>>, %arg16: memref<512x1xf32, #tpu.memory_space<vmem>>) attributes {dimension_semantics = [#tpu.dimension_semantics<arbitrary>], iteration_bounds = array<i64: 8>, scalar_prefetch = 0 : i64, scratch_operands = 0 : i64, tpu.core_type = #tpu.core_type<tc>, window_params = [{transform_indices = @transform_0, window_bounds = array<i64: 512, 128>}, {transform_indices = @transform_1, window_bounds = array<i64: 512, 128>}, {transform_indices = @transform_2, window_bounds = array<i64: 512, 128>}, {pipeline_mode = #tpu.pipeline_mode<synchronous>, transform_indices = @transform_3, window_bounds = array<i64: 128, 128>}, {pipeline_mode = #tpu.pipeline_mode<synchronous>, transform_indices = @transform_4, window_bounds = array<i64: 1, 128>}, {pipeline_mode = #tpu.pipeline_mode<synchronous>, transform_indices = @transform_5, window_bounds = array<i64: 128, 128>}, {pipeline_mode = #tpu.pipeline_mode<synchronous>, transform_indices = @transform_6, window_bounds = array<i64: 1, 128>}, {pipeline_mode = #tpu.pipeline_mode<synchronous>, transform_indices = @transform_7, window_bounds = array<i64: 128, 128>}, {pipeline_mode = #tpu.pipeline_mode<synchronous>, transform_indices = @transform_8, window_bounds = array<i64: 1, 128>}, {pipeline_mode = #tpu.pipeline_mode<synchronous>, transform_indices = @transform_9, window_bounds = array<i64: 128, 128>}, {pipeline_mode = #tpu.pipeline_mode<synchronous>, transform_indices = @transform_10, window_bounds = array<i64: 1, 128>}, {pipeline_mode = #tpu.pipeline_mode<synchronous>, transform_indices = @transform_11, window_bounds = array<i64: 128, 1>}, {pipeline_mode = #tpu.pipeline_mode<synchronous>, transform_indices = @transform_12, window_bounds = array<i64: 1, 1>}, {pipeline_mode = #tpu.pipeline_mode<synchronous>, transform_indices = @transform_13, window_bounds = array<i64: 1, 1>}, {pipeline_mode = #tpu.pipeline_mode<synchronous>, transform_indices = @transform_14, window_bounds = array<i64: 1, 1>}, {transform_indices = @transform_15, window_bounds = array<i64: 512, 1>}]} {
    %get3A = arith.constant 0 : index
    %get3A_0 = arith.constant 0 : index
    %get3A_1 = vector.load %arg1[%get3A, %get3A_0] : memref<512x128xf32, #tpu.memory_space<vmem>>, vector<512x128xf32>
    %get3A_2 = arith.constant 0 : index
    %get3A_3 = arith.constant 0 : index
    %get3A_4 = vector.load %arg2[%get3A_2, %get3A_3] : memref<512x128xf32, #tpu.memory_space<vmem>>, vector<512x128xf32>
    %get3A_5 = arith.constant 0 : index
    %get3A_6 = arith.constant 0 : index
    %get3A_7 = vector.load %arg4[%get3A_5, %get3A_6] : memref<128x128xf32, #tpu.memory_space<vmem>>, vector<128x128xf32>
    %dot_general3A = arith.constant dense<0.000000e+00> : vector<512x128xf32>
    %dot_general3A_8 = tpu.matmul %get3A_1, %get3A_7, %dot_general3A {dimension_numbers = #tpu.dot_dimension_numbers<[1], [0], [0], [1], [0, 0, 1, 1], [], []>, transpose_lhs_hint = false} : vector<512x128xf32>, vector<128x128xf32>, vector<512x128xf32> -> vector<512x128xf32>
    %get3A_9 = arith.constant 0 : index
    %get3A_10 = arith.constant 0 : index
    %get3A_11 = vector.load %arg5[%get3A_9, %get3A_10] : memref<1x128xf32, #tpu.memory_space<vmem>>, vector<1x128xf32>
    %add3A = vector.broadcast %get3A_11 : vector<1x128xf32> to vector<512x128xf32>
    %add3A_12 = arith.addf %dot_general3A_8, %add3A : vector<512x128xf32>
    %get3A_13 = arith.constant 0 : index
    %get3A_14 = arith.constant 0 : index
    %get3A_15 = vector.load %arg6[%get3A_13, %get3A_14] : memref<128x128xf32, #tpu.memory_space<vmem>>, vector<128x128xf32>
    %dot_general3A_16 = arith.constant dense<0.000000e+00> : vector<512x128xf32>
    %dot_general3A_17 = tpu.matmul %get3A_4, %get3A_15, %dot_general3A_16 {dimension_numbers = #tpu.dot_dimension_numbers<[1], [0], [0], [1], [0, 0, 1, 1], [], []>, transpose_lhs_hint = false} : vector<512x128xf32>, vector<128x128xf32>, vector<512x128xf32> -> vector<512x128xf32>
    %add3A_18 = arith.addf %add3A_12, %dot_general3A_17 : vector<512x128xf32>
    %get3A_19 = arith.constant 0 : index
    %get3A_20 = arith.constant 0 : index
    %get3A_21 = vector.load %arg7[%get3A_19, %get3A_20] : memref<1x128xf32, #tpu.memory_space<vmem>>, vector<1x128xf32>
    %add3A_22 = vector.broadcast %get3A_21 : vector<1x128xf32> to vector<512x128xf32>
    %add3A_23 = arith.addf %add3A_18, %add3A_22 : vector<512x128xf32>
    %max3A = arith.constant 0.000000e+00 : f32
    %max3A_24 = vector.broadcast %max3A : f32 to vector<512x128xf32>
    %max3A_25 = arith.maximumf %add3A_23, %max3A_24 : vector<512x128xf32>
    %get3A_26 = arith.constant 0 : index
    %get3A_27 = arith.constant 0 : index
    %get3A_28 = vector.load %arg8[%get3A_26, %get3A_27] : memref<128x128xf32, #tpu.memory_space<vmem>>, vector<128x128xf32>
    %dot_general3A_29 = arith.constant dense<0.000000e+00> : vector<512x128xf32>
    %dot_general3A_30 = tpu.matmul %max3A_25, %get3A_28, %dot_general3A_29 {dimension_numbers = #tpu.dot_dimension_numbers<[1], [0], [0], [1], [0, 0, 1, 1], [], []>, transpose_lhs_hint = false} : vector<512x128xf32>, vector<128x128xf32>, vector<512x128xf32> -> vector<512x128xf32>
    %get3A_31 = arith.constant 0 : index
    %get3A_32 = arith.constant 0 : index
    %get3A_33 = vector.load %arg9[%get3A_31, %get3A_32] : memref<1x128xf32, #tpu.memory_space<vmem>>, vector<1x128xf32>
    %add3A_34 = vector.broadcast %get3A_33 : vector<1x128xf32> to vector<512x128xf32>
    %add3A_35 = arith.addf %dot_general3A_30, %add3A_34 : vector<512x128xf32>
    %get3A_36 = arith.constant 0 : index
    %get3A_37 = arith.constant 0 : index
    %get3A_38 = vector.load %arg3[%get3A_36, %get3A_37] : memref<512x128xf32, #tpu.memory_space<vmem>>, vector<512x128xf32>
    %get3A_39 = arith.constant 0 : index
    %get3A_40 = arith.constant 0 : index
    %get3A_41 = vector.load %arg10[%get3A_39, %get3A_40] : memref<128x128xf32, #tpu.memory_space<vmem>>, vector<128x128xf32>
    %dot_general3A_42 = arith.constant dense<0.000000e+00> : vector<512x128xf32>
    %dot_general3A_43 = tpu.matmul %get3A_38, %get3A_41, %dot_general3A_42 {dimension_numbers = #tpu.dot_dimension_numbers<[1], [0], [0], [1], [0, 0, 1, 1], [], []>, transpose_lhs_hint = false} : vector<512x128xf32>, vector<128x128xf32>, vector<512x128xf32> -> vector<512x128xf32>
    %get3A_44 = arith.constant 0 : index
    %get3A_45 = arith.constant 0 : index
    %get3A_46 = vector.load %arg11[%get3A_44, %get3A_45] : memref<1x128xf32, #tpu.memory_space<vmem>>, vector<1x128xf32>
    %add3A_47 = vector.broadcast %get3A_46 : vector<1x128xf32> to vector<512x128xf32>
    %add3A_48 = arith.addf %dot_general3A_43, %add3A_47 : vector<512x128xf32>
    %get3A_49 = arith.constant 0 : index
    %get3A_50 = arith.constant 0 : index
    %get3A_51 = vector.load %arg14[%get3A_49, %get3A_50] : memref<1x1xf32, #tpu.memory_space<vmem>>, vector<1x1xf32>
    %get3A_52 = vector.extract %get3A_51[0, 0] : f32 from vector<1x1xf32>
    %mul3A = vector.broadcast %get3A_52 : f32 to vector<512x128xf32>
    %mul3A_53 = arith.mulf %add3A_48, %mul3A : vector<512x128xf32>
    %add3A_54 = arith.addf %mul3A_53, %add3A_35 : vector<512x128xf32>
    %get3A_55 = arith.constant 0 : index
    %get3A_56 = arith.constant 0 : index
    %get3A_57 = vector.load %arg12[%get3A_55, %get3A_56] : memref<128x1xf32, #tpu.memory_space<vmem>>, vector<128x1xf32>
    %dot_general3A_58 = arith.constant dense<0.000000e+00> : vector<512x1xf32>
    %dot_general3A_59 = tpu.matmul %add3A_54, %get3A_57, %dot_general3A_58 {dimension_numbers = #tpu.dot_dimension_numbers<[1], [0], [0], [1], [0, 0, 1, 1], [], []>, transpose_lhs_hint = false} : vector<512x128xf32>, vector<128x1xf32>, vector<512x1xf32> -> vector<512x1xf32>
    %get3A_60 = arith.constant 0 : index
    %get3A_61 = arith.constant 0 : index
    %get3A_62 = vector.load %arg13[%get3A_60, %get3A_61] : memref<1x1xf32, #tpu.memory_space<vmem>>, vector<1x1xf32>
    %add3A_63 = vector.broadcast %get3A_62 : vector<1x1xf32> to vector<512x1xf32>
    %add3A_64 = arith.addf %dot_general3A_59, %add3A_63 : vector<512x1xf32>
    %get3A_65 = arith.constant 0 : index
    %get3A_66 = arith.constant 0 : index
    %get3A_67 = vector.load %arg15[%get3A_65, %get3A_66] : memref<1x1xf32, #tpu.memory_space<vmem>>, vector<1x1xf32>
    %get3A_68 = vector.extract %get3A_67[0, 0] : f32 from vector<1x1xf32>
    %mul3A_69 = vector.broadcast %get3A_68 : f32 to vector<512x1xf32>
    %mul3A_70 = arith.mulf %mul3A_69, %add3A_64 : vector<512x1xf32>
    %neg3A = arith.constant 0.000000e+00 : f32
    %neg3A_71 = vector.broadcast %neg3A : f32 to vector<512x1xf32>
    %neg3A_72 = arith.subf %neg3A_71, %mul3A_70 : vector<512x1xf32>
    %max3A_73 = arith.constant 0.000000e+00 : f32
    %max3A_74 = vector.broadcast %max3A_73 : f32 to vector<512x1xf32>
    %max3A_75 = arith.maximumf %neg3A_72, %max3A_74 : vector<512x1xf32>
    %abs3A = math.absf %neg3A_72 : vector<512x1xf32>
    %neg3A_76 = arith.constant 0.000000e+00 : f32
    %neg3A_77 = vector.broadcast %neg3A_76 : f32 to vector<512x1xf32>
    %neg3A_78 = arith.subf %neg3A_77, %abs3A : vector<512x1xf32>
    %exp3A = math.exp %neg3A_78 : vector<512x1xf32>
    %log1p3A = math.log1p %exp3A : vector<512x1xf32>
    %add3A_79 = arith.addf %max3A_75, %log1p3A : vector<512x1xf32>
    %swap3A = arith.constant 0 : index
    %swap3A_80 = arith.constant 0 : index
    %swap3A_81 = vector.load %arg16[%swap3A, %swap3A_80] : memref<512x1xf32, #tpu.memory_space<vmem>>, vector<512x1xf32>
    tpu.vector_store %arg16[%swap3A, %swap3A_80], %add3A_79 {strides = array<i32>} : memref<512x1xf32, #tpu.memory_space<vmem>>, vector<512x1xf32>,
    return
  }
  func.func @transform_0(%arg0: i32) -> (i32, i32) {
    %c0_i32 = arith.constant 0 : i32
    %c0_i32_0 = arith.constant 0 : i32
    return %arg0, %c0_i32 : i32, i32
  }
  func.func @transform_1(%arg0: i32) -> (i32, i32) {
    %c0_i32 = arith.constant 0 : i32
    %c0_i32_0 = arith.constant 0 : i32
    return %arg0, %c0_i32 : i32, i32
  }
  func.func @transform_2(%arg0: i32) -> (i32, i32) {
    %c0_i32 = arith.constant 0 : i32
    %c0_i32_0 = arith.constant 0 : i32
    return %arg0, %c0_i32 : i32, i32
  }
  func.func @transform_3(%arg0: i32) -> (i32, i32) {
    %c0_i32 = arith.constant 0 : i32
    %c0_i32_0 = arith.constant 0 : i32
    %c0_i32_1 = arith.constant 0 : i32
    return %c0_i32, %c0_i32_0 : i32, i32
  }
  func.func @transform_4(%arg0: i32) -> (i32, i32) {
    %c0_i32 = arith.constant 0 : i32
    %c0_i32_0 = arith.constant 0 : i32
    %c0_i32_1 = arith.constant 0 : i32
    return %c0_i32, %c0_i32_0 : i32, i32
  }
  func.func @transform_5(%arg0: i32) -> (i32, i32) {
    %c0_i32 = arith.constant 0 : i32
    %c0_i32_0 = arith.constant 0 : i32
    %c0_i32_1 = arith.constant 0 : i32
    return %c0_i32, %c0_i32_0 : i32, i32
  }
  func.func @transform_6(%arg0: i32) -> (i32, i32) {
    %c0_i32 = arith.constant 0 : i32
    %c0_i32_0 = arith.constant 0 : i32
    %c0_i32_1 = arith.constant 0 : i32
    return %c0_i32, %c0_i32_0 : i32, i32
  }
  func.func @transform_7(%arg0: i32) -> (i32, i32) {
    %c0_i32 = arith.constant 0 : i32
    %c0_i32_0 = arith.constant 0 : i32
    %c0_i32_1 = arith.constant 0 : i32
    return %c0_i32, %c0_i32_0 : i32, i32
  }
  func.func @transform_8(%arg0: i32) -> (i32, i32) {
    %c0_i32 = arith.constant 0 : i32
    %c0_i32_0 = arith.constant 0 : i32
    %c0_i32_1 = arith.constant 0 : i32
    return %c0_i32, %c0_i32_0 : i32, i32
  }
  func.func @transform_9(%arg0: i32) -> (i32, i32) {
    %c0_i32 = arith.constant 0 : i32
    %c0_i32_0 = arith.constant 0 : i32
    %c0_i32_1 = arith.constant 0 : i32
    return %c0_i32, %c0_i32_0 : i32, i32
  }
  func.func @transform_10(%arg0: i32) -> (i32, i32) {
    %c0_i32 = arith.constant 0 : i32
    %c0_i32_0 = arith.constant 0 : i32
    %c0_i32_1 = arith.constant 0 : i32
    return %c0_i32, %c0_i32_0 : i32, i32
  }
  func.func @transform_11(%arg0: i32) -> (i32, i32) {
    %c0_i32 = arith.constant 0 : i32
    %c0_i32_0 = arith.constant 0 : i32
    %c0_i32_1 = arith.constant 0 : i32
    return %c0_i32, %c0_i32_0 : i32, i32
  }
  func.func @transform_12(%arg0: i32) -> (i32, i32) {
    %c0_i32 = arith.constant 0 : i32
    %c0_i32_0 = arith.constant 0 : i32
    %c0_i32_1 = arith.constant 0 : i32
    return %c0_i32, %c0_i32_0 : i32, i32
  }
  func.func @transform_13(%arg0: i32) -> (i32, i32) {
    %c0_i32 = arith.constant 0 : i32
    %c0_i32_0 = arith.constant 0 : i32
    %c0_i32_1 = arith.constant 0 : i32
    return %c0_i32, %c0_i32_0 : i32, i32
  }
  func.func @transform_14(%arg0: i32) -> (i32, i32) {
    %c0_i32 = arith.constant 0 : i32
    %c0_i32_0 = arith.constant 0 : i32
    %c0_i32_1 = arith.constant 0 : i32
    return %c0_i32, %c0_i32_0 : i32, i32
  }
  func.func @transform_15(%arg0: i32) -> (i32, i32) {
    %c0_i32 = arith.constant 0 : i32
    %c0_i32_0 = arith.constant 0 : i32
    return %arg0, %c0_i32 : i32, i32
  }
}

</mosaic_0001>

<sc_bundles>
// kernel: _run.5.cloned.1.call-start
scs
__scs_entry_jumppad:
0x0: {  	(pc) =	sbr.rel $0x88, $3  }
0x1: {  	(tag) =	ssettag $0x0;
	lr =	simm.s32 $0x1  }
0x2: {  	[smem:$0x3F90] =	sst lr;
	_ =	strace $0xD0000000  }
0x3: {  	_ = 	snop  }
0x4: {  	_ = 	snop  }
0x5: {  	_ = 	snop  }
0x6: {  	_ = 	snop  }
0x7: {  	_ = 	snop  }
__scs_overlays_trampoline_lowered:
0x8: {  	[smem:$0x3F9F] =	sst s0  }
0x9: {  	[smem:$0x3FA0] =	sst s1  }
0xa: {  	[smem:$0x3FA1] =	sst s2  }
0xb: {  	[smem:$0x3FA2] =	sst s3  }
0xc: {  	[smem:$0x3FA3] =	sst s4  }
0xd: {  	[smem:$0x3FA4] =	sst s5  }
0xe: {  	[smem:$0x3FA5] =	sst s6  }
0xf: {  	[smem:$0x3FA6] =	sst s7  }
0x10: {  	[smem:$0x3FA7] =	sst s8  }
0x11: {  	[smem:$0x3FA8] =	sst s9;
	s0 =	simm.s32 @!p0 $0x0  }
0x12: {  	s1 =	sld [smem:$0x3F8E];
	s0 =	simm.s32 @p0 $0x1  }
0x13: {  	[smem:$0x3FA9] =	sst s0;
	s0 =	simm.s32 @!p1 $0x0  }
0x14: {  	s2 =	sld [smem:$0x3F8D];
	s0 =	simm.s32 @p1 $0x1  }
0x15: {  	[smem:$0x3FAA] =	sst s0;
	s0 =	simm.s32 @!p2 $0x0  }
0x16: {  	s3 =	sld [smem:$0x3FDB];
	s0 =	simm.s32 @p2 $0x1  }
0x17: {  	s4 =	simm.s32 $0x1BF5;
	[smem:$0x3FAC] =	sst s0  }
0x18: {  	s0 =	sld [smem:$0x3F8F];
	_ =	swait.ge [sflag:s4], $0x0  }
0x19: {  	s7 =	sld [smem:$0x3F90]  }
0x1a: {  	s8 =	sadd.s32 $0xFFFFE003, lr  }
0x1b: {  	s9 =	sadd.s32 $0xFFFFFEF7, lr;
	s5 =	simm.s32 $0xFFFFFFFF;
	p2 =	slt.u32 s8, $0xFFFFF086  }
0x1c: {  	p1 =	slt.u32 s9, $0xF7A;
	s5 =	simm.s32 @!p2 $0x0  }
0x1d: {  	s5 =	simm.s32 @p1 $0x1;
	p0 =	seq.s32 s7, s2  }
0x1e: {  	s7 =	smul.u32 @!p0 $0xF7A, s2;
	p2 =	seq.s32 @!p0 s5, $0x0  }
0x1f: {  	s9 =	smul.u32 $0xF7A, s1;
	s8 =	simm.s32 @!p0 $0x1BF5;
	p2 =	por !p2, p0  }
0x20: {  	[sflag:s8] =	ssyncset.s32 @!p0 $0xFFFFF086;
	s6 =	sadd.s32 @!p0 s3, s7;
	s7 =	simm.s32 @!p0 $0x108  }
0x21: {  	s3 =	sadd.s32 s3, s9;
	s6 =	sadd.s32 @!p0 $0x88, s6;
	s7 =	simm.s32 @p2 $0x1082  }
0x22: {  	[simem:s7], [sflag:s8] =	dma.local @!p0 [hbm:s6], $0xF7A  }
0x23: {  	s9 =	sor.u32 $0xD0000000, s2;
	s6 =	simm.s32 $0x108;
	_ =	swait.ge @!p0 [sflag:s8], $0x0  }
0x24: {  	s3 =	sadd.s32 $0x88, s3;
	s6 =	simm.s32 @!p1 $0x1082;
	[sflag:s4] =	ssyncset.s32 $0xFFFFF086  }
0x25: {  	[simem:s6], [sflag:s4] =	dma.local [hbm:s3], $0xF7A  }
0x26: {  	[smem:$0x3F90] =	sst s1;
	(tag) =	ssettag s2;
	_ =	strace s9  }
0x27: {  	s1 =	sld [smem:$0x3FA0]  }
0x28: {  	s2 =	sld [smem:$0x3FA1]  }
0x29: {  	s4 =	sld [smem:$0x3FA3]  }
0x2a: {  	p0 =	seq.s32 s5, $0x0;
	s5 =	sld [smem:$0x3FA4]  }
0x2b: {  	s6 =	sld [smem:$0x3FA5]  }
0x2c: {  	s7 =	sld [smem:$0x3FA6]  }
0x2d: {  	s3 =	simm.s32 $0x108;
	s8 =	sld [smem:$0x3FA7]  }
0x2e: {  	s3 =	simm.s32 @!p0 $0x1082;
	s9 =	sld [smem:$0x3FA8]  }
0x2f: {  	lr =	sadd.s32 s0, s3;
	s0 =	sld [smem:$0x3F9F]  }
0x30: {  	s3 =	sld [smem:$0x3FA2]  }
0x31: {  	[smem:$0x3FAB] =	sst s10  }
0x32: {  	s10 =	sld [smem:$0x3FA9];
	_ =	sdelay $0x3  }
0x33: {  	p0 =	seq.s32 s10, $0x1;
	s10 =	sld [smem:$0x3FAB];
	_ =	sdelay $0x3  }
0x34: {  	[smem:$0x3FAB] =	sst s10  }
0x35: {  	s10 =	sld [smem:$0x3FAA];
	_ =	sdelay $0x3  }
0x36: {  	p1 =	seq.s32 s10, $0x1;
	s10 =	sld [smem:$0x3FAB];
	_ =	sdelay $0x3  }
0x37: {  	[smem:$0x3FAB] =	sst s10  }
0x38: {  	s10 =	sld [smem:$0x3FAC]  }
0x39: {  	_ = 	snop;
	(pc) =	sbr.ind lr, $3  }
0x3a: {  	_ = 	snop  }
0x3b: {  	_ = 	snop  }
0x3c: {  	p2 =	seq.s32 s10, $0x1;
	s10 =	sld [smem:$0x3FAB]  }
0x3d: {  	_ =	shalt  }
0x3e: {  	_ =	shalt  }
0x3f: {  	_ =	shalt  }
0x40: {  	_ =	shalt  }
0x41: {  	_ =	shalt  }
0x42: {  	_ =	shalt  }
0x43: {  	_ =	shalt  }
0x44: {  	_ =	shalt  }
0x45: {  	_ =	shalt  }
0x46: {  	_ =	shalt  }
0x47: {  	_ =	shalt  }
0x48: {  	_ =	shalt  }
0x49: {  	_ =	shalt  }
0x4a: {  	_ =	shalt  }
0x4b: {  	_ =	shalt  }
0x4c: {  	_ =	shalt  }
0x4d: {  	_ =	shalt  }
0x4e: {  	_ =	shalt  }
0x4f: {  	_ =	shalt  }
0x50: {  	_ =	shalt  }
0x51: {  	_ =	shalt  }
0x52: {  	_ =	shalt  }
0x53: {  	_ =	shalt  }
0x54: {  	_ =	shalt  }
0x55: {  	_ =	shalt  }
0x56: {  	_ =	shalt  }
0x57: {  	_ =	shalt  }
0x58: {  	_ =	shalt  }
0x59: {  	_ =	shalt  }
0x5a: {  	_ =	shalt  }
0x5b: {  	_ =	shalt  }
0x5c: {  	_ =	shalt  }
0x5d: {  	_ =	shalt  }
0x5e: {  	_ =	shalt  }
0x5f: {  	_ =	shalt  }
0x60: {  	_ =	shalt  }
0x61: {  	_ =	shalt  }
0x62: {  	_ =	shalt  }
0x63: {  	_ =	shalt  }
0x64: {  	_ =	shalt  }
0x65: {  	_ =	shalt  }
0x66: {  	_ =	shalt  }
0x67: {  	_ =	shalt  }
0x68: {  	_ =	shalt  }
0x69: {  	_ =	shalt  }
0x6a: {  	_ =	shalt  }
0x6b: {  	_ =	shalt  }
0x6c: {  	_ =	shalt  }
0x6d: {  	_ =	shalt  }
0x6e: {  	_ =	shalt  }
0x6f: {  	_ =	shalt  }
0x70: {  	_ =	shalt  }
0x71: {  	_ =	shalt  }
0x72: {  	_ =	shalt  }
0x73: {  	_ =	shalt  }
0x74: {  	_ =	shalt  }
0x75: {  	_ =	shalt  }
0x76: {  	_ =	shalt  }
0x77: {  	_ =	shalt  }
0x78: {  	_ =	shalt  }
0x79: {  	_ =	shalt  }
0x7a: {  	_ =	shalt  }
0x7b: {  	_ =	shalt  }
0x7c: {  	_ =	shalt  }
0x7d: {  	_ =	shalt  }
0x7e: {  	_ =	shalt  }
0x7f: {  	_ =	shalt  }
0x80: {  	_ =	shalt  }
0x81: {  	_ =	shalt  }
0x82: {  	_ =	shalt  }
0x83: {  	_ =	shalt  }
0x84: {  	_ =	shalt  }
0x85: {  	_ =	shalt  }
0x86: {  	_ =	shalt  }
0x87: {  	_ =	shalt  }
.Lfunc_end0:
.L_simem_size_0:
called_computation.4_lowered:
.L_overlay_start_0:
0x88: {  	s2 =	sld [smem:$0x3FD9]  }
0x89: {  	s3 =	sld [smem:$0x3FFE];
	_ =	sdelay $0x1  }
0x8a: {  	s1 =	srdreg.scid  }
0x8b: {  	s0 =	sand.u32 $0x1, s1  }
0x8c: {  	s16 =	sshll.u32 s0, $0xA;
	s2 =	sadd.s32 s3, s2  }
0x8d: {  	s2 =	sadd.s32 s2, s16  }
0x8e: {  	[smem:$0x3FB7] =	sst s2  }
0x8f: {  	_ = 	snop  }
0x90: {  	(tm) =	ssettm $0x1  }
0x91: {  	s17 =	sld [smem:$0x3FFB];
	_ =	sdelay $0x3  }
0x92: {  	_ =	strace s17  }
0x93: {  	s2 =	sld [smem:$0x3FFC];
	_ =	sdelay $0x3  }
0x94: {  	_ =	strace s2  }
0x95: {  	s2 =	sld [smem:$0x3FFD];
	_ =	sdelay $0x3  }
0x96: {  	_ =	strace s2  }
0x97: {  	_ =	strace $0x8FFFFFFF  }
0x98: {  	s18 =	sld [smem:$0x3FDB];
	_ =	sdelay $0x1  }
0x99: {  	s19 =	simm.s32 $_scs_section_size  }
0x9a: {  	s4 =	simm.s32 $_size__tile_overlayer_lowered;
	s5 =	simm.s32 $_tile_overlayer_lowered  }
0x9b: {  	s22 =	simm.s32 $0x1BFF;
	s21 =	sshll.u32 s5, $0x1;
	s2 =	sadd.s32 s19, s18  }
0x9c: {  	s6 =	simm.s32 $0x0;
	s20 =	sshll.u32 s4, $0x1;
	s4 =	sadd.s32 s21, s2  }
0x9d: {  	[timem:s6], [sflag:s22] =	dma.local [hbm:s4], s20  }
0x9e: {  	_ =	swait.ge [sflag:s22], s20  }
0x9f: {  	s3 =	ssub.s32 $0x0, s20;
	[sflag:s22] =	ssyncset.done $0x0  }
0xa0: {  	[sflag:s22] =	ssyncadd.s32 s3;
	_ =	sdelay $0x1  }
0xa1: {  	s23 =	simm.s32 $0x1B8B  }
0xa2: {  	_ =	swait.ge [sflag:s23], $0x1  }
0xa3: {  	[sflag:s23] =	ssyncset.done $0x0  }
0xa4: {  	s25 =	simm.s32 $0x1B8E;
	s24 =	sld [smem:$0x3FFE];
	[sflag:s23] =	ssyncadd.s32 $0xFFFFFFFF  }
0xa5: {  	s26 =	simm.s32 $execute0_lowered;
	[smem:$0x3FD2] =	sst s25  }
0xa6: {  	s4 =	sshll.u32 s26, $0x1;
	_ =	strace $0x80000046;
	[dreg:$0x1] =	wrdreg $0xFFFFFFFF  }
0xa7: {  	s28 =	simm.s32 $_size_execute0_lowered;
	s2 =	sadd.s32 s2, s4;
	[dreg:$0x0] =	wrdreg $0x0  }
0xa8: {  	s4 =	sshll.u32 s28, $0x1;
	[dreg:$0x2] =	wrdreg s2  }
0xa9: {  	[dreg:$0x3] =	wrdreg s4  }
0xaa: {  	[dreg:$0x4] =	wrdreg $0xC0  }
0xab: {  	_ =	task [dreg:s6], $0x5FFFF  }
0xac: {  	[dreg:$0x1] =	wrdreg $0xFFFFFFFF  }
0xad: {  	[dreg:$0x0] =	wrdreg $0x60  }
0xae: {  	[dreg:$0x2] =	wrdreg s24  }
0xaf: {  	[dreg:$0x3] =	wrdreg $0xB  }
0xb0: {  	_ =	task.clear_ibuf [dreg:s6], $0x4FFFF;
	_ =	strace $0x90000046  }
0xb1: {  	s29 =	simm.s32 $0xB;
	_ =	strace $0x80000048  }
0xb2: {  	_ =	swait.ge [sflag:s29], $0x1  }
0xb3: {  	[sflag:s29] =	ssyncadd.s32 $0xFFFFFFFF  }
0xb4: {  	_ =	strace $0x90000048  }
0xb5: {  	_ =	sfence  }
0xb6: {  	s30 =	sld [smem:$0x0];
	_ =	sdelay $0x2  }
0xb7: {  	s31 =	sshll.u32 s1, $0xD;
	s1 =	sshrl.u32 s1, $0x2  }
0xb8: {  	s3 =	sand.u32 $0x4000, s31;
	s1 =	sadd.s32 s1, s30  }
0xb9: {  	s0 =	sor.u32 s3, s0;
	s1 =	sshll.u32 s1, $0x11  }
0xba: {  	s0 =	sor.u32 s1, s0  }
0xbb: {  	s0 =	sadd.s32 $0x8F2B, s0  }
0xbc: {  	[sflag:s0] =	ssyncadd.remote.s32 $0x1  }
0xbd: {  	_ =	sfence.sel $0xFFFF  }
0xbe: {  	[dreg:$0x0] =	wrdreg $0xFFFFFFFF;
	(pc) =	sbr.abs _section_cstart, $3  }
0xbf: {  	[dreg:$0x1] =	wrdreg $0xFFFFFFFF  }
0xc0: {  	_ =	task.clear_ibuf [dreg:s6], $0x2FFFF;
	_ =	strace $0x9FFFFFFF  }
0xc1: {  	(tm) =	ssettm $0x7FFFFFFF  }
tec
execute0_lowered:
.L_overlay_start_1:
0x0: {  	(tag) =	ssettag $0x1  }
0x1: {  	s0 =	srdreg.scid  }
0x2: {  	s3 =	rddreg [dreg:$0x0];
	s1 =	stileid.u32  }
0x3: {  	s2 =	simm.s32 $0x0;
	s10 =	simm.s32 $0x9D80;
	s11 =	simm.s32 $0x9D00  }
0x4: {  	s12 =	simm.s32 $0x1;
	s4 =	sand.u32 $0x1, s0;
	s5 =	smul.u32 $0x140, s1  }
0x5: {  	s13 =	simm.s32 $0x0;
	s0 =	rddreg [dreg:$0x1];
	s8 =	smul.u32 $0x1400, s4  }
0x6: {  	[smem:$0x7FF] =	sst s2;
	s6 =	smul.u32 $0x9C4, s1;
	s4 =	ssub.s32 $0x2, s4  }
0x7: {  	_ =	strace $0x80000047;
	s7 =	sshrl.u32 s4, $0x1;
	s5 =	sadd.s32 s5, s8  }
0x8: {  	s28 =	sadd.s32 s6, s3;
	s3 =	sadd.s32 $0x18A00, s3;
	s9 =	smul.u32 $0x2800, s5  }
0x9: {  	s29 =	ssub.s32 s4, s7;
	s4 =	sadd.s32 $0xEC00, s28;
	s31 =	sadd.s32 $0x1400, s8  }
0xa: {  	v2 =	vimm.f32 $1.000000000e+00;
	v0 =	vmov s8;
	s8 =	simm.s32 $0x2;
	s5 =	sadd.s32 $0x4E00, s28;
	s30 =	sshrl.u32 s9, $0x3  }
0xb: {  	v3 =	vimm.f32 $0.0e+00;
	vm0 =	vmmov $0xffff;
	s6 =	smax.u32 s29, $0x1;
	v1 =	vmov s31;
	s9 =	simm.s32 $0x4E80;
	s7 =	sadd.s32 s30, s3  }
.LBB2_1:
0xc: {  	[tilespmem:s2], [sflag:$0x2] =	stream.linear.gather [hbm4b:s4+s2], $0x4E20, $0x38;
	[tilespmem:$0xED80] =	vst v63  }
0xd: {  	_ =	swait.ge [sflag:s8], $0x4E20  }
0xe: {  	[sflag:s8] =	ssyncset.done $0x0  }
0xf: {  	[sflag:s8] =	ssyncadd.s32 $0xFFFFB1E0  }
0x10: {  	[tilespmem:s9], [sflag:$0x2] =	stream.linear.gather [hbm4b:s5+s2], $0x4E20, $0x38;
	[tilespmem:$0xED80] =	vst v63  }
0x11: {  	_ =	swait.ge [sflag:s8], $0x4E20  }
0x12: {  	[sflag:s8] =	ssyncset.done $0x0  }
0x13: {  	[sflag:s8] =	ssyncadd.s32 $0xFFFFB1E0  }
0x14: {  	s14 =	simm.s32 $0x0;
	[tilespmem:$0x9D00] =	vst v2  }
.LBB2_2:
0x15: {  	p0 =	sne.s32 s14, $0x13FC0  }
.Ltmp0:
0x16: {  	_ = 	snop;
	(pc) =	sbr.rel @p0 .LBB2_2-.Ltmp0, $3  }
0x17: {  	_ =	sdelay $0x1  }
0x18: {  	s15 =	sshra.s32 s14, $0x2  }
0x19: {  	s14 =	sadd.s32 $0x40, s14;
	[tilespmem:s15+$0x9D80] =	vst v3  }
0x1a: {  	s14 =	sadd.s32 $0x0, s7  }
0x1b: {  	[hbm4b:s14+s2] =	stream.linear.scatter [tilespmem:s10], [sflag:$0x2], $0x5000, $0x38;
	[tilespmem:$0xED80] =	vst v63  }
0x1c: {  	_ =	swait.ge [sflag:s8], $0x5000  }
0x1d: {  	s14 =	simm.s32 $0xA00;
	[sflag:s8] =	ssyncset.done $0x0  }
.LBB2_4:
0x1e: {  	s15 =	sadd.s32 s14, s7;
	[sflag:s8] =	ssyncadd.s32 $0xFFFFB000;
	p0 =	sne.s32 s14, $0x63600  }
0x1f: {  	[hbm4b:s15+s2] =	stream.linear.scatter [tilespmem:s10], [sflag:$0x2], $0x5000, $0x38;
	[tilespmem:$0xED80] =	vst v63  }
.Ltmp1:
0x20: {  	_ = 	snop;
	(pc) =	sbr.rel @p0 .LBB2_4-.Ltmp1, $4  }
0x21: {  	_ = 	snop  }
0x22: {  	s14 =	sadd.s32 $0xA00, s14  }
0x23: {  	_ =	swait.ge [sflag:s8], $0x5000  }
0x24: {  	[sflag:s8] =	ssyncset.done $0x0  }
0x25: {  	[sflag:s8] =	ssyncadd.s32 $0xFFFFB000;
	s14 =	simm.s32 $0x0  }
0x26: {  	s15 =	simm.s32 $0x50;
	s16 =	simm.s32 $0x4ED0;
	[bflag:$0x0] =	sbarrier.arrive $0xFFFF  }
.LBB2_6:
0x27: {  	v4 =	vld [tilespmem:s15+$0xFFFFFFB0];
	_ =	sdelay $0x1  }
0x28: {  	v5 =	vld [tilespmem:s16+$0xFFFFFFB0];
	_ =	sdelay $0x2  }
0x29: {  	v6 =	vmul.u32 $0x2800, v4  }
0x2a: {  	vm1 =	vge.s32 v4, v0;
	vm2 =	vlt.s32 v4, v1  }
0x2b: {  	vm1 =	vmand vm1, vm2;
	v4 =	vadd.s32 v5, v6  }
0x2c: {  	v4 =	vnsel vm1, $0x61A8000, v4;
	_ =	sdelay $0x4  }
0x2d: {  	[hbm4b:s3+s2] =	stream.indirect_vreg.scatter [tilespmem:s11], [sflag:$0x1], $0x1, v4, vm0, $0xb8;
	[tilespmem:$0xED80] =	vst v63  }
0x2e: {  	v4 =	vld [tilespmem:s15+$0xFFFFFFC0];
	_ =	sdelay $0x1  }
0x2f: {  	v5 =	vld [tilespmem:s16+$0xFFFFFFC0];
	_ =	sdelay $0x2  }
0x30: {  	v55 =	vmul.u32 $0x2800, v4  }
0x31: {  	vm1 =	vge.s32 v4, v0;
	vm2 =	vlt.s32 v4, v1  }
0x32: {  	vm1 =	vmand vm1, vm2;
	v4 =	vadd.s32 v5, v55  }
0x33: {  	v4 =	vnsel vm1, $0x61A8000, v4;
	_ =	sdelay $0x4  }
0x34: {  	[hbm4b:s3+s2] =	stream.indirect_vreg.scatter [tilespmem:s11], [sflag:$0x1], $0x1, v4, vm0, $0xb8;
	[tilespmem:$0xED80] =	vst v63  }
0x35: {  	v4 =	vld [tilespmem:s15+$0xFFFFFFD0];
	_ =	sdelay $0x1  }
0x36: {  	v5 =	vld [tilespmem:s16+$0xFFFFFFD0];
	_ =	sdelay $0x2  }
0x37: {  	v56 =	vmul.u32 $0x2800, v4  }
0x38: {  	vm1 =	vge.s32 v4, v0;
	vm2 =	vlt.s32 v4, v1  }
0x39: {  	vm1 =	vmand vm1, vm2;
	v4 =	vadd.s32 v5, v56  }
0x3a: {  	v4 =	vnsel vm1, $0x61A8000, v4;
	_ =	sdelay $0x4  }
0x3b: {  	[hbm4b:s3+s2] =	stream.indirect_vreg.scatter [tilespmem:s11], [sflag:$0x1], $0x1, v4, vm0, $0xb8;
	[tilespmem:$0xED80] =	vst v63  }
0x3c: {  	v4 =	vld [tilespmem:s15+$0xFFFFFFE0];
	_ =	sdelay $0x1  }
0x3d: {  	v5 =	vld [tilespmem:s16+$0xFFFFFFE0];
	_ =	sdelay $0x2  }
0x3e: {  	v57 =	vmul.u32 $0x2800, v4  }
0x3f: {  	vm1 =	vge.s32 v4, v0;
	vm2 =	vlt.s32 v4, v1  }
0x40: {  	vm1 =	vmand vm1, vm2;
	v4 =	vadd.s32 v5, v57  }
0x41: {  	v4 =	vnsel vm1, $0x61A8000, v4;
	_ =	sdelay $0x4  }
0x42: {  	[hbm4b:s3+s2] =	stream.indirect_vreg.scatter [tilespmem:s11], [sflag:$0x1], $0x1, v4, vm0, $0xb8;
	[tilespmem:$0xED80] =	vst v63  }
0x43: {  	v4 =	vld [tilespmem:s15+$0xFFFFFFF0];
	_ =	sdelay $0x1  }
0x44: {  	v5 =	vld [tilespmem:s16+$0xFFFFFFF0];
	_ =	sdelay $0x2  }
0x45: {  	v58 =	vmul.u32 $0x2800, v4  }
0x46: {  	vm1 =	vge.s32 v4, v0;
	vm2 =	vlt.s32 v4, v1  }
0x47: {  	vm1 =	vmand vm1, vm2;
	v4 =	vadd.s32 v5, v58  }
0x48: {  	v4 =	vnsel vm1, $0x61A8000, v4;
	_ =	sdelay $0x4  }
0x49: {  	[hbm4b:s3+s2] =	stream.indirect_vreg.scatter [tilespmem:s11], [sflag:$0x1], $0x1, v4, vm0, $0xb8;
	[tilespmem:$0xED80] =	vst v63  }
0x4a: {  	v4 =	vld [tilespmem:s15+$0x0];
	_ =	sdelay $0x1  }
0x4b: {  	v5 =	vld [tilespmem:s16+$0x0];
	_ =	sdelay $0x2  }
0x4c: {  	v59 =	vmul.u32 $0x2800, v4  }
0x4d: {  	vm1 =	vge.s32 v4, v0;
	vm2 =	vlt.s32 v4, v1  }
0x4e: {  	vm1 =	vmand vm1, vm2;
	v4 =	vadd.s32 v5, v59  }
0x4f: {  	v4 =	vnsel vm1, $0x61A8000, v4;
	_ =	sdelay $0x4  }
0x50: {  	[hbm4b:s3+s2] =	stream.indirect_vreg.scatter [tilespmem:s11], [sflag:$0x1], $0x1, v4, vm0, $0xb8;
	[tilespmem:$0xED80] =	vst v63  }
0x51: {  	v4 =	vld [tilespmem:s15+$0x10];
	_ =	sdelay $0x1  }
0x52: {  	v5 =	vld [tilespmem:s16+$0x10];
	_ =	sdelay $0x2  }
0x53: {  	v60 =	vmul.u32 $0x2800, v4  }
0x54: {  	vm1 =	vge.s32 v4, v0;
	vm2 =	vlt.s32 v4, v1  }
0x55: {  	vm1 =	vmand vm1, vm2;
	v4 =	vadd.s32 v5, v60  }
0x56: {  	v4 =	vnsel vm1, $0x61A8000, v4;
	_ =	sdelay $0x4  }
0x57: {  	[hbm4b:s3+s2] =	stream.indirect_vreg.scatter [tilespmem:s11], [sflag:$0x1], $0x1, v4, vm0, $0xb8;
	[tilespmem:$0xED80] =	vst v63  }
0x58: {  	v4 =	vld [tilespmem:s15+$0x20];
	_ =	sdelay $0x1  }
0x59: {  	v5 =	vld [tilespmem:s16+$0x20];
	_ =	sdelay $0x2  }
0x5a: {  	v61 =	vmul.u32 $0x2800, v4  }
0x5b: {  	vm1 =	vge.s32 v4, v0;
	vm2 =	vlt.s32 v4, v1  }
0x5c: {  	vm1 =	vmand vm1, vm2;
	v4 =	vadd.s32 v5, v61  }
0x5d: {  	v4 =	vnsel vm1, $0x61A8000, v4;
	_ =	sdelay $0x3  }
0x5e: {  	s17 =	sand.u32 $0x7FE0, s14  }
0x5f: {  	[hbm4b:s3+s2] =	stream.indirect_vreg.scatter [tilespmem:s11], [sflag:$0x1], $0x1, v4, vm0, $0xb8;
	[tilespmem:$0xED80] =	vst v63  }
0x60: {  	v4 =	vld [tilespmem:s17+$0x80];
	_ =	sdelay $0x1  }
0x61: {  	v5 =	vld [tilespmem:s17+$0x4F00];
	_ =	sdelay $0x2  }
0x62: {  	v62 =	vmul.u32 $0x2800, v4  }
0x63: {  	vm1 =	vge.s32 v4, v0;
	vm2 =	vlt.s32 v4, v1  }
0x64: {  	vm1 =	vmand vm1, vm2;
	v4 =	vadd.s32 v5, v62  }
0x65: {  	v4 =	vnsel vm1, $0x61A8000, v4;
	_ =	sdelay $0x4  }
0x66: {  	[hbm4b:s3+s2] =	stream.indirect_vreg.scatter [tilespmem:s11], [sflag:$0x1], $0x1, v4, vm0, $0xb8;
	[tilespmem:$0xED80] =	vst v63  }
0x67: {  	v4 =	vld [tilespmem:s15+$0x40];
	_ =	sdelay $0x1  }
0x68: {  	v5 =	vld [tilespmem:s16+$0x40];
	_ =	sdelay $0x2  }
0x69: {  	v63 =	vmul.u32 $0x2800, v4  }
0x6a: {  	vm1 =	vge.s32 v4, v0;
	vm2 =	vlt.s32 v4, v1  }
0x6b: {  	vm1 =	vmand vm1, vm2;
	v4 =	vadd.s32 v5, v63  }
0x6c: {  	v4 =	vnsel vm1, $0x61A8000, v4;
	_ =	sdelay $0x4  }
0x6d: {  	[hbm4b:s3+s2] =	stream.indirect_vreg.scatter [tilespmem:s11], [sflag:$0x1], $0x1, v4, vm0, $0xb8;
	[tilespmem:$0xED80] =	vst v63  }
0x6e: {  	_ =	swait.ge [sflag:s12], $0x10  }
0x6f: {  	[sflag:s12] =	ssyncset.done $0x0  }
0x70: {  	[sflag:s12] =	ssyncadd.s32 $0xFFFFFFF0  }
0x71: {  	_ =	swait.ge [sflag:s12], $0x10  }
0x72: {  	[sflag:s12] =	ssyncset.done $0x0  }
0x73: {  	[sflag:s12] =	ssyncadd.s32 $0xFFFFFFF0  }
0x74: {  	_ =	swait.ge [sflag:s12], $0x10  }
0x75: {  	[sflag:s12] =	ssyncset.done $0x0  }
0x76: {  	[sflag:s12] =	ssyncadd.s32 $0xFFFFFFF0  }
0x77: {  	_ =	swait.ge [sflag:s12], $0x10  }
0x78: {  	[sflag:s12] =	ssyncset.done $0x0  }
0x79: {  	[sflag:s12] =	ssyncadd.s32 $0xFFFFFFF0  }
0x7a: {  	_ =	swait.ge [sflag:s12], $0x10  }
0x7b: {  	[sflag:s12] =	ssyncset.done $0x0  }
0x7c: {  	[sflag:s12] =	ssyncadd.s32 $0xFFFFFFF0  }
0x7d: {  	_ =	swait.ge [sflag:s12], $0x10  }
0x7e: {  	[sflag:s12] =	ssyncset.done $0x0  }
0x7f: {  	[sflag:s12] =	ssyncadd.s32 $0xFFFFFFF0  }
0x80: {  	_ =	swait.ge [sflag:s12], $0x10  }
0x81: {  	[sflag:s12] =	ssyncset.done $0x0  }
0x82: {  	[sflag:s12] =	ssyncadd.s32 $0xFFFFFFF0  }
0x83: {  	_ =	swait.ge [sflag:s12], $0x10  }
0x84: {  	[sflag:s12] =	ssyncset.done $0x0  }
0x85: {  	[sflag:s12] =	ssyncadd.s32 $0xFFFFFFF0  }
0x86: {  	p0 =	sne.s32 s14, $0x4D80;
	_ =	swait.ge [sflag:s12], $0x10  }
.Ltmp2:
0x87: {  	[sflag:s12] =	ssyncset.done $0x0;
	(pc) =	sbr.rel @p0 .LBB2_6-.Ltmp2, $4  }
0x88: {  	[sflag:s12] =	ssyncadd.s32 $0xFFFFFFF0  }
0x89: {  	_ =	swait.ge [sflag:s12], $0x10  }
0x8a: {  	s14 =	sadd.s32 $0xA0, s14;
	[sflag:s12] =	ssyncset.done $0x0  }
0x8b: {  	s15 =	sadd.s32 $0xA0, s15;
	s16 =	sadd.s32 $0xA0, s16;
	[sflag:s12] =	ssyncadd.s32 $0xFFFFFFF0  }
0x8c: {  	s13 =	sadd.s32 $0x1, s13  }
0x8d: {  	p0 =	sne.s32 s13, s6  }
.Ltmp3:
0x8e: {  	_ = 	snop;
	(pc) =	sbr.rel @p0 .LBB2_1-.Ltmp3, $1  }
0x8f: {  	_ =	sdelay $0x3  }
0x90: {  	_ =	sfence.sel $0x180000  }
0x91: {  	[bflag:$0x0] =	sbarrier.arrive $0xFFFF  }
0x92: {  	p0 =	sne.s32 s1, $0x0;
	_ =	strace $0x90000047  }
0x93: {  	s0 =	sadd.s32 @!p0 $0x100000, s0;
	[bflag:$0x2] =	sbarrier.arrive $0xFFFF  }
0x94: {  	[sflag:s0] =	ssyncadd.tile.s32 @!p0 $0x1;
	_ =	shalt  }
.Lfunc_end2:
_tile_overlayer_lowered:
.L_overlay_start_2:
0x95: {  	(tag) =	ssettag $0x2  }
0x96: {  	s0 =	rddreg [dreg:$0x0];
	s2 =	stileid.u32  }
0x97: {  	s1 =	rddreg [dreg:$0x1];
	p0 =	sne.s32 s2, $0x0  }
0x98: {  	s3 =	rddreg [dreg:$0x2];
	[bflag:$0x3] =	sbarrier.arrive $0xFFFF;
	s2 =	simm.s32 @!p0 $0x1C02  }
0x99: {  	[timem:s3], [sflag:s2] =	dma.local @!p0 [hbm:s0], s1  }
0x9a: {  	s0 =	simm.s32 @!p0 $0x2  }
0x9b: {  	_ =	swait.ge @!p0 [sflag:s0], s1  }
0x9c: {  	s1 =	ssub.s32 @!p0 $0x0, s1;
	[sflag:s0] =	ssyncset.done @!p0 $0x0  }
0x9d: {  	[sflag:s0] =	ssyncadd.s32 @!p0 s1  }
0x9e: {  	[bflag:$0x3] =	sbarrier.arrive $0xFFFF  }
0x9f: {  	_ =	shalt  }

// kernel: gather_offload_async_start.1
scs
__scs_entry_jumppad:
0x0: {  	(pc) =	sbr.rel $0x88, $3  }
0x1: {  	(tag) =	ssettag $0x0;
	lr =	simm.s32 $0x1  }
0x2: {  	[smem:$0x3F90] =	sst lr;
	_ =	strace $0xD0000000  }
0x3: {  	_ = 	snop  }
0x4: {  	_ = 	snop  }
0x5: {  	_ = 	snop  }
0x6: {  	_ = 	snop  }
0x7: {  	_ = 	snop  }
__scs_overlays_trampoline_lowered:
0x8: {  	[smem:$0x3F9F] =	sst s0  }
0x9: {  	[smem:$0x3FA0] =	sst s1  }
0xa: {  	[smem:$0x3FA1] =	sst s2  }
0xb: {  	[smem:$0x3FA2] =	sst s3  }
0xc: {  	[smem:$0x3FA3] =	sst s4  }
0xd: {  	[smem:$0x3FA4] =	sst s5  }
0xe: {  	[smem:$0x3FA5] =	sst s6  }
0xf: {  	[smem:$0x3FA6] =	sst s7  }
0x10: {  	[smem:$0x3FA7] =	sst s8  }
0x11: {  	[smem:$0x3FA8] =	sst s9;
	s0 =	simm.s32 @!p0 $0x0  }
0x12: {  	s1 =	sld [smem:$0x3F8E];
	s0 =	simm.s32 @p0 $0x1  }
0x13: {  	[smem:$0x3FA9] =	sst s0;
	s0 =	simm.s32 @!p1 $0x0  }
0x14: {  	s2 =	sld [smem:$0x3F8D];
	s0 =	simm.s32 @p1 $0x1  }
0x15: {  	[smem:$0x3FAA] =	sst s0;
	s0 =	simm.s32 @!p2 $0x0  }
0x16: {  	s3 =	sld [smem:$0x3FDB];
	s0 =	simm.s32 @p2 $0x1  }
0x17: {  	s4 =	simm.s32 $0x1BF5;
	[smem:$0x3FAC] =	sst s0  }
0x18: {  	s0 =	sld [smem:$0x3F8F];
	_ =	swait.ge [sflag:s4], $0x0  }
0x19: {  	s7 =	sld [smem:$0x3F90]  }
0x1a: {  	s8 =	sadd.s32 $0xFFFFE003, lr  }
0x1b: {  	s9 =	sadd.s32 $0xFFFFFEF7, lr;
	s5 =	simm.s32 $0xFFFFFFFF;
	p2 =	slt.u32 s8, $0xFFFFF086  }
0x1c: {  	p1 =	slt.u32 s9, $0xF7A;
	s5 =	simm.s32 @!p2 $0x0  }
0x1d: {  	s5 =	simm.s32 @p1 $0x1;
	p0 =	seq.s32 s7, s2  }
0x1e: {  	s7 =	smul.u32 @!p0 $0xF7A, s2;
	p2 =	seq.s32 @!p0 s5, $0x0  }
0x1f: {  	s9 =	smul.u32 $0xF7A, s1;
	s8 =	simm.s32 @!p0 $0x1BF5;
	p2 =	por !p2, p0  }
0x20: {  	[sflag:s8] =	ssyncset.s32 @!p0 $0xFFFFF086;
	s6 =	sadd.s32 @!p0 s3, s7;
	s7 =	simm.s32 @!p0 $0x108  }
0x21: {  	s3 =	sadd.s32 s3, s9;
	s6 =	sadd.s32 @!p0 $0x88, s6;
	s7 =	simm.s32 @p2 $0x1082  }
0x22: {  	[simem:s7], [sflag:s8] =	dma.local @!p0 [hbm:s6], $0xF7A  }
0x23: {  	s9 =	sor.u32 $0xD0000000, s2;
	s6 =	simm.s32 $0x108;
	_ =	swait.ge @!p0 [sflag:s8], $0x0  }
0x24: {  	s3 =	sadd.s32 $0x88, s3;
	s6 =	simm.s32 @!p1 $0x1082;
	[sflag:s4] =	ssyncset.s32 $0xFFFFF086  }
0x25: {  	[simem:s6], [sflag:s4] =	dma.local [hbm:s3], $0xF7A  }
0x26: {  	[smem:$0x3F90] =	sst s1;
	(tag) =	ssettag s2;
	_ =	strace s9  }
0x27: {  	s1 =	sld [smem:$0x3FA0]  }
0x28: {  	s2 =	sld [smem:$0x3FA1]  }
0x29: {  	s4 =	sld [smem:$0x3FA3]  }
0x2a: {  	p0 =	seq.s32 s5, $0x0;
	s5 =	sld [smem:$0x3FA4]  }
0x2b: {  	s6 =	sld [smem:$0x3FA5]  }
0x2c: {  	s7 =	sld [smem:$0x3FA6]  }
0x2d: {  	s3 =	simm.s32 $0x108;
	s8 =	sld [smem:$0x3FA7]  }
0x2e: {  	s3 =	simm.s32 @!p0 $0x1082;
	s9 =	sld [smem:$0x3FA8]  }
0x2f: {  	lr =	sadd.s32 s0, s3;
	s0 =	sld [smem:$0x3F9F]  }
0x30: {  	s3 =	sld [smem:$0x3FA2]  }
0x31: {  	[smem:$0x3FAB] =	sst s10  }
0x32: {  	s10 =	sld [smem:$0x3FA9];
	_ =	sdelay $0x3  }
0x33: {  	p0 =	seq.s32 s10, $0x1;
	s10 =	sld [smem:$0x3FAB];
	_ =	sdelay $0x3  }
0x34: {  	[smem:$0x3FAB] =	sst s10  }
0x35: {  	s10 =	sld [smem:$0x3FAA];
	_ =	sdelay $0x3  }
0x36: {  	p1 =	seq.s32 s10, $0x1;
	s10 =	sld [smem:$0x3FAB];
	_ =	sdelay $0x3  }
0x37: {  	[smem:$0x3FAB] =	sst s10  }
0x38: {  	s10 =	sld [smem:$0x3FAC]  }
0x39: {  	_ = 	snop;
	(pc) =	sbr.ind lr, $3  }
0x3a: {  	_ = 	snop  }
0x3b: {  	_ = 	snop  }
0x3c: {  	p2 =	seq.s32 s10, $0x1;
	s10 =	sld [smem:$0x3FAB]  }
0x3d: {  	_ =	shalt  }
0x3e: {  	_ =	shalt  }
0x3f: {  	_ =	shalt  }
0x40: {  	_ =	shalt  }
0x41: {  	_ =	shalt  }
0x42: {  	_ =	shalt  }
0x43: {  	_ =	shalt  }
0x44: {  	_ =	shalt  }
0x45: {  	_ =	shalt  }
0x46: {  	_ =	shalt  }
0x47: {  	_ =	shalt  }
0x48: {  	_ =	shalt  }
0x49: {  	_ =	shalt  }
0x4a: {  	_ =	shalt  }
0x4b: {  	_ =	shalt  }
0x4c: {  	_ =	shalt  }
0x4d: {  	_ =	shalt  }
0x4e: {  	_ =	shalt  }
0x4f: {  	_ =	shalt  }
0x50: {  	_ =	shalt  }
0x51: {  	_ =	shalt  }
0x52: {  	_ =	shalt  }
0x53: {  	_ =	shalt  }
0x54: {  	_ =	shalt  }
0x55: {  	_ =	shalt  }
0x56: {  	_ =	shalt  }
0x57: {  	_ =	shalt  }
0x58: {  	_ =	shalt  }
0x59: {  	_ =	shalt  }
0x5a: {  	_ =	shalt  }
0x5b: {  	_ =	shalt  }
0x5c: {  	_ =	shalt  }
0x5d: {  	_ =	shalt  }
0x5e: {  	_ =	shalt  }
0x5f: {  	_ =	shalt  }
0x60: {  	_ =	shalt  }
0x61: {  	_ =	shalt  }
0x62: {  	_ =	shalt  }
0x63: {  	_ =	shalt  }
0x64: {  	_ =	shalt  }
0x65: {  	_ =	shalt  }
0x66: {  	_ =	shalt  }
0x67: {  	_ =	shalt  }
0x68: {  	_ =	shalt  }
0x69: {  	_ =	shalt  }
0x6a: {  	_ =	shalt  }
0x6b: {  	_ =	shalt  }
0x6c: {  	_ =	shalt  }
0x6d: {  	_ =	shalt  }
0x6e: {  	_ =	shalt  }
0x6f: {  	_ =	shalt  }
0x70: {  	_ =	shalt  }
0x71: {  	_ =	shalt  }
0x72: {  	_ =	shalt  }
0x73: {  	_ =	shalt  }
0x74: {  	_ =	shalt  }
0x75: {  	_ =	shalt  }
0x76: {  	_ =	shalt  }
0x77: {  	_ =	shalt  }
0x78: {  	_ =	shalt  }
0x79: {  	_ =	shalt  }
0x7a: {  	_ =	shalt  }
0x7b: {  	_ =	shalt  }
0x7c: {  	_ =	shalt  }
0x7d: {  	_ =	shalt  }
0x7e: {  	_ =	shalt  }
0x7f: {  	_ =	shalt  }
0x80: {  	_ =	shalt  }
0x81: {  	_ =	shalt  }
0x82: {  	_ =	shalt  }
0x83: {  	_ =	shalt  }
0x84: {  	_ =	shalt  }
0x85: {  	_ =	shalt  }
0x86: {  	_ =	shalt  }
0x87: {  	_ =	shalt  }
.Lfunc_end0:
.L_simem_size_0:
called_computation.1_lowered:
.L_overlay_start_0:
0x88: {  	s2 =	sld [smem:$0x3FD9]  }
0x89: {  	s3 =	sld [smem:$0x3FFE];
	_ =	sdelay $0x1  }
0x8a: {  	s1 =	srdreg.scid  }
0x8b: {  	s0 =	sand.u32 $0x1, s1  }
0x8c: {  	s17 =	sshll.u32 s0, $0xA;
	s2 =	sadd.s32 s3, s2  }
0x8d: {  	s2 =	sadd.s32 s2, s17  }
0x8e: {  	[smem:$0x3FB7] =	sst s2  }
0x8f: {  	_ = 	snop  }
0x90: {  	s18 =	sld [smem:$0x3FC9];
	(tm) =	ssettm $0x1  }
0x91: {  	s19 =	sld [smem:$0x3FFB];
	_ =	sdelay $0x3  }
0x92: {  	_ =	strace s19  }
0x93: {  	s2 =	sld [smem:$0x3FFC];
	_ =	sdelay $0x3  }
0x94: {  	_ =	strace s2  }
0x95: {  	s2 =	sld [smem:$0x3FFD];
	_ =	sdelay $0x3  }
0x96: {  	_ =	strace s2  }
0x97: {  	_ =	strace $0x8FFFFFFF  }
0x98: {  	s20 =	sld [smem:$0x3FDB];
	_ =	sdelay $0x1  }
0x99: {  	s4 =	simm.s32 $_scs_section_size  }
0x9a: {  	s5 =	simm.s32 $_size__tile_overlayer_lowered;
	s6 =	simm.s32 $_tile_overlayer_lowered  }
0x9b: {  	s7 =	simm.s32 $0x1BFF;
	s21 =	sshll.u32 s6, $0x1;
	s4 =	sadd.s32 s4, s20  }
0x9c: {  	s22 =	simm.s32 $0x0;
	s5 =	sshll.u32 s5, $0x1;
	s6 =	sadd.s32 s21, s4  }
0x9d: {  	[timem:s22], [sflag:s7] =	dma.local [hbm:s6], s5  }
0x9e: {  	_ =	swait.ge [sflag:s7], s5  }
0x9f: {  	s5 =	ssub.s32 $0x0, s5;
	[sflag:s7] =	ssyncset.done $0x0  }
0xa0: {  	[sflag:s7] =	ssyncadd.s32 s5;
	_ =	sdelay $0x1  }
0xa1: {  	s23 =	simm.s32 $0x1B8B  }
0xa2: {  	_ =	swait.ge [sflag:s23], $0x1  }
0xa3: {  	[sflag:s23] =	ssyncset.done $0x0  }
0xa4: {  	[sflag:s23] =	ssyncadd.s32 $0xFFFFFFFF  }
0xa5: {  	s5 =	sld [smem:$0x0]  }
0xa6: {  	s6 =	sand.u32 $0xFFFFFFFE, s1  }
0xa7: {  	p0 =	sne.s32 s1, s6  }
0xa8: {  	s6 =	sshll.u32 @p0 s6, $0xE  }
0xa9: {  	s6 =	sadd.s32 @p0 $0x11B8D, s6;
	s7 =	sshll.u32 @p0 s5, $0x11  }
0xaa: {  	s6 =	sor.u32 @p0 s7, s6  }
0xab: {  	[sflag:s6] =	ssyncadd.remote.s32 @p0 $0x1;
	_ =	sdelay $0x1  }
0xac: {  	s6 =	simm.s32 @p0 $0x1B8D  }
0xad: {  	_ =	swait.eq @p0 [sflag:s6], $0x1  }
0xae: {  	[sflag:s6] =	ssyncadd.s32 @p0 $0xFFFFFFFF  }
0xaf: {  	s7 =	sshll.u32 @!p0 s1, $0xE  }
0xb0: {  	s7 =	sor.u32 @!p0 $0x4000, s7;
	s6 =	simm.s32 @!p0 $0x1B8D  }
0xb1: {  	s5 =	sshll.u32 @!p0 s5, $0x11;
	s7 =	sadd.s32 @!p0 $0x11B8D, s7;
	_ =	swait.eq @!p0 [sflag:s6], $0x1  }
0xb2: {  	s5 =	sor.u32 @!p0 s5, s7;
	[sflag:s6] =	ssyncadd.s32 @!p0 $0xFFFFFFFF  }
0xb3: {  	s25 =	simm.s32 $0x1B8E;
	s24 =	sld [smem:$0x3FFE];
	[sflag:s5] =	ssyncadd.remote.s32 @!p0 $0x1  }
0xb4: {  	s26 =	simm.s32 $execute0_lowered;
	[smem:$0x3FD2] =	sst s25  }
0xb5: {  	s6 =	sshll.u32 s26, $0x1;
	_ =	strace $0x8000004C;
	[dreg:$0x1] =	wrdreg $0xFFFFFFFF  }
0xb6: {  	s28 =	simm.s32 $_size_execute0_lowered;
	s4 =	sadd.s32 s4, s6;
	[dreg:$0x0] =	wrdreg $0x0  }
0xb7: {  	s6 =	sshll.u32 s28, $0x1;
	[dreg:$0x2] =	wrdreg s4  }
0xb8: {  	[dreg:$0x3] =	wrdreg s6  }
0xb9: {  	[dreg:$0x4] =	wrdreg $0xC0  }
0xba: {  	_ =	task [dreg:s22], $0x5FFFF  }
0xbb: {  	[dreg:$0x1] =	wrdreg $0xFFFFFFFF  }
0xbc: {  	[dreg:$0x0] =	wrdreg $0x60  }
0xbd: {  	[dreg:$0x2] =	wrdreg s18  }
0xbe: {  	[dreg:$0x3] =	wrdreg s24  }
0xbf: {  	[dreg:$0x4] =	wrdreg $0xA  }
0xc0: {  	_ =	task.clear_ibuf [dreg:s22], $0x5FFFF;
	_ =	strace $0x9000004C  }
0xc1: {  	s29 =	simm.s32 $0xA;
	_ =	strace $0x8000004E  }
0xc2: {  	_ =	swait.ge [sflag:s29], $0x1  }
0xc3: {  	[sflag:s29] =	ssyncadd.s32 $0xFFFFFFFF  }
0xc4: {  	_ =	strace $0x9000004E  }
0xc5: {  	_ =	sfence  }
0xc6: {  	s30 =	sld [smem:$0x0];
	_ =	sdelay $0x2  }
0xc7: {  	s31 =	sshll.u32 s1, $0xD;
	s1 =	sshrl.u32 s1, $0x2  }
0xc8: {  	s4 =	sand.u32 $0x4000, s31;
	s1 =	sadd.s32 s1, s30  }
0xc9: {  	s0 =	sor.u32 s4, s0;
	s1 =	sshll.u32 s1, $0x11  }
0xca: {  	s0 =	sor.u32 s1, s0  }
0xcb: {  	s0 =	sadd.s32 $0x8F2B, s0  }
0xcc: {  	[sflag:s0] =	ssyncadd.remote.s32 $0x1  }
0xcd: {  	_ =	sfence.sel $0xFFFF  }
0xce: {  	[dreg:$0x0] =	wrdreg $0xFFFFFFFF;
	(pc) =	sbr.abs _section_cstart, $3  }
0xcf: {  	[dreg:$0x1] =	wrdreg $0xFFFFFFFF  }
0xd0: {  	_ =	task.clear_ibuf [dreg:s22], $0x2FFFF;
	_ =	strace $0x9FFFFFFF  }
0xd1: {  	(tm) =	ssettm $0x7FFFFFFF  }
tec
execute0_lowered:
.L_overlay_start_1:
0x0: {  	(tag) =	ssettag $0x1  }
0x1: {  	s2 =	rddreg [dreg:$0x0]  }
0x2: {  	s7 =	rddreg [dreg:$0x1]  }
0x3: {  	s0 =	rddreg [dreg:$0x2]  }
0x4: {  	s1 =	srdreg.scid;
	_ =	strace $0x8000004D;
	s4 =	simm.s32 $0x1  }
0x5: {  	s9 =	simm.s32 $0x3;
	s12 =	simm.s32 $0x0;
	s5 =	sshll.u32 s1, $0x4  }
.Ltmp0:
0x6: {  	s1 =	stileid.u32;
	s5 =	sand.u32 $0x10, s5;
	(pc) =	sbr.rel .LBB2_1-.Ltmp0, $4  }
0x7: {  	s10 =	simm.s32 $0x0;
	s3 =	sadd.s32 $0xCA9200, s7;
	s6 =	sor.u32 s1, s5  }
0x8: {  	[sflag:s4] =	ssyncpa.u1 $0x0;
	s5 =	simm.s32 $0x2;
	s6 =	sshll.u32 s6, $0x7  }
0x9: {  	s7 =	sadd.s32 $0xCA9400, s7;
	[sflag:s5] =	ssyncpa.u1 $0x0;
	s8 =	sadd.s32 $0x80, s6  }
0xa: {  	vm0 =	vmmov $0xff;
	vm1 =	vcmask $0x3F20;
	[sflag:s9] =	ssyncpa.u1 $0x0;
	s9 =	simm.s32 $0x80;
	s11 =	smov.u32 s6  }
.LBB2_9:
0xb: {  	p0 =	seq.s32 s10, $0x2  }
.Ltmp1:
0xc: {  	_ = 	snop;
	(pc) =	sbr.rel @p0 .LBB2_11-.Ltmp1, $1  }
0xd: {  	_ =	sdelay $0x3  }
.LBB2_10:
0xe: {  	s12 =	sadd.s32 $0x80, s11  }
0xf: {  	s13 =	smov.u32 s6;
	p0 =	slt.s32 s12, s8  }
0x10: {  	s13 =	smov.u32 @p0 s12  }
0x11: {  	s10 =	sadd.s32 $0x1, s10;
	s12 =	smov.u32 s11;
	s11 =	smov.u32 s13  }
.LBB2_1:
0x12: {  	p0 =	sne.s32 s10, $0x0  }
.Ltmp2:
0x13: {  	_ = 	snop;
	(pc) =	sbr.rel @!p0 .LBB2_2-.Ltmp2, $1  }
0x14: {  	_ =	sdelay $0x3  }
0x15: {  	s13 =	sand.u32 $0x1, s10  }
0x16: {  	p0 =	seq.s32 s13, $0x0  }
.Ltmp3:
0x17: {  	_ = 	snop;
	(pc) =	sbr.rel @p0 .LBB2_9-.Ltmp3, $1  }
0x18: {  	_ =	sdelay $0x3  }
0x19: {  	_ =	swait.ge [sflag:s5], $0x80  }
0x1a: {  	[sflag:s5] =	ssyncset.done $0x0  }
0x1b: {  	s13 =	simm.s32 $0x0;
	[sflag:s5] =	ssyncadd.s32 $0xFFFFFF80  }
0x1c: {  	v0 =	vld.msk [tilespmem:s13+$0x80 ss:$0x1], $0xffff;
	_ =	sdelay $0x4  }
0x1d: {  	vm2 =	vgt.s32 v0, $0x0  }
0x1e: {  	v0 =	vnsel vm2, $0x0, v0  }
0x1f: {  	v0 =	vmin.u32 v0, $0x270F  }
0x20: {  	v0 =	vshll.u32 v0, $0x4;
	_ =	sdelay $0x3  }
0x21: {  	s13 =	simm.s32 $0x4100  }
0x22: {  	[tilespmem:s13], [sflag:$0x1] =	stream.indirect_vreg.gather [hbm:s2], $0x80, v0, vm0, $0x38;
	[tilespmem:$0x8100] =	vst v63  }
0x23: {  	s14 =	simm.s32 $0x4500;
	s31 =	simm.s32 $0x10  }
0x24: {  	[tilespmem:s14], [sflag:$0x1] =	stream.indirect_vreg.gather [hbm:s2], $0x80, v0, vm1, $0x38;
	[tilespmem:$0x8100] =	vst v63  }
0x25: {  	s14 =	simm.s32 $0x80;
	v0 =	vld.msk [tilespmem:s31+$0x80 ss:$0x1], $0xffff  }
.LBB2_5:
0x26: {  	p0 =	sne.s32 s14, $0x1C0;
	_ =	sdelay $0x4  }
0x27: {  	vm2 =	vgt.s32 v0, $0x0  }
0x28: {  	v0 =	vnsel vm2, $0x0, v0  }
0x29: {  	v0 =	vmin.u32 v0, $0x270F  }
0x2a: {  	v0 =	vshll.u32 v0, $0x4;
	_ =	sdelay $0x3  }
.Ltmp4:
0x2b: {  	s13 =	sadd.s32 $0x800, s13;
	(pc) =	sbr.rel @p0 .LBB2_5-.Ltmp4, $4  }
0x2c: {  	[tilespmem:s13], [sflag:$0x1] =	stream.indirect_vreg.gather [hbm:s2], $0x80, v0, vm0, $0x38;
	[tilespmem:$0x8100] =	vst v63  }
0x2d: {  	s15 =	sshra.s32 s14, $0x2;
	s16 =	sadd.s32 $0x400, s13  }
0x2e: {  	[tilespmem:s16], [sflag:$0x1] =	stream.indirect_vreg.gather [hbm:s2], $0x80, v0, vm1, $0x38;
	[tilespmem:$0x8100] =	vst v63  }
0x2f: {  	s14 =	sadd.s32 $0x40, s14;
	v0 =	vld.msk [tilespmem:s15+$0x80 ss:$0x1], $0xffff  }
0x30: {  	_ =	sdelay $0x3  }
0x31: {  	vm2 =	vgt.s32 v0, $0x0  }
0x32: {  	v0 =	vnsel vm2, $0x0, v0  }
0x33: {  	v0 =	vmin.u32 v0, $0x270F  }
0x34: {  	v0 =	vshll.u32 v0, $0x4;
	_ =	sdelay $0x3  }
0x35: {  	s13 =	sadd.s32 $0x800, s13  }
0x36: {  	[tilespmem:s13], [sflag:$0x1] =	stream.indirect_vreg.gather [hbm:s2], $0x80, v0, vm0, $0x38;
	[tilespmem:$0x8100] =	vst v63  }
0x37: {  	s13 =	sadd.s32 $0x400, s13  }
0x38: {  	[tilespmem:s13], [sflag:$0x1] =	stream.indirect_vreg.gather [hbm:s2], $0x80, v0, vm1, $0x38;
	[tilespmem:$0x8100] =	vst v63  }
0x39: {  	s12 =	sshll.u32 s12, $0x4;
	s14 =	simm.s32 $0x80;
	_ =	swait.ge [sflag:s4], $0x4000  }
0x3a: {  	s15 =	simm.s32 $0x4500;
	s12 =	sadd.s32 s12, s7;
	[sflag:s4] =	ssyncset.done $0x0  }
0x3b: {  	s16 =	sadd.s32 $0x0, s12;
	s13 =	simm.s32 $0x4100;
	[sflag:s4] =	ssyncadd.s32 $0xFFFFC000  }
.LBB2_7:
0x3c: {  	[hbm:s16] =	stream.linear.scatter [tilespmem:s13], [sflag:$0x3], $0x400, $0x38;
	[tilespmem:$0x8100] =	vst v63  }
0x3d: {  	s16 =	smov.u32 s14;
	s13 =	smov.u32 s15;
	p0 =	sne.s32 s14, $0x780  }
.Ltmp5:
0x3e: {  	s14 =	sadd.s32 $0x80, s14;
	(pc) =	sbr.rel @p0 .LBB2_7-.Ltmp5, $2  }
0x3f: {  	_ =	sdelay $0x2  }
0x40: {  	s15 =	sadd.s32 $0x400, s15;
	s16 =	sadd.s32 s16, s12  }
.Ltmp6:
0x41: {  	(pc) =	sbr.rel .LBB2_9-.Ltmp6, $2  }
0x42: {  	_ =	sdelay $0x2  }
0x43: {  	[hbm:s16] =	stream.linear.scatter [tilespmem:s13], [sflag:$0x3], $0x400, $0x38;
	[tilespmem:$0x8100] =	vst v63  }
.LBB2_2:
.Ltmp7:
0x44: {  	(pc) =	sbr.rel .LBB2_10-.Ltmp7, $4  }
0x45: {  	_ = 	snop  }
0x46: {  	s12 =	sshrl.u32 s11, $0x3  }
0x47: {  	s13 =	sand.u32 $0x7, s11;
	s12 =	sadd.s32 s3, s12  }
0x48: {  	[tilespmem:s9], [sflag:$0x2] =	stream.linear.gather [hbm4b:s12+s13], $0x80, $0x38;
	[tilespmem:$0x8100] =	vst v63  }
.LBB2_11:
0x49: {  	s2 =	simm.s32 $0x3  }
0x4a: {  	_ =	swait.ge [sflag:s2], $0x4000  }
0x4b: {  	[sflag:s2] =	ssyncset.done $0x0  }
0x4c: {  	[sflag:s2] =	ssyncadd.s32 $0xFFFFC000  }
0x4d: {  	_ =	sfence.sel $0x180000  }
0x4e: {  	s3 =	simm.s32 $0x2;
	[bflag:$0x0] =	sbarrier.arrive $0xFFFF  }
0x4f: {  	[sflag:s3] =	ssyncpa.u1 $0x1  }
0x50: {  	s31 =	simm.s32 $0x1;
	[sflag:s2] =	ssyncpa.u1 $0x1  }
0x51: {  	[sflag:s31] =	ssyncpa.u1 $0x1  }
0x52: {  	p0 =	sne.s32 s1, $0x0;
	_ =	strace $0x9000004D  }
0x53: {  	s0 =	sadd.s32 @!p0 $0x100000, s0;
	[bflag:$0x2] =	sbarrier.arrive $0xFFFF  }
0x54: {  	[sflag:s0] =	ssyncadd.tile.s32 @!p0 $0x1;
	_ =	shalt  }
.Lfunc_end2:
_tile_overlayer_lowered:
.L_overlay_start_2:
0x55: {  	(tag) =	ssettag $0x2  }
0x56: {  	s0 =	rddreg [dreg:$0x0];
	s2 =	stileid.u32  }
0x57: {  	s1 =	rddreg [dreg:$0x1];
	p0 =	sne.s32 s2, $0x0  }
0x58: {  	s3 =	rddreg [dreg:$0x2];
	[bflag:$0x3] =	sbarrier.arrive $0xFFFF;
	s2 =	simm.s32 @!p0 $0x1C01  }
0x59: {  	[timem:s3], [sflag:s2] =	dma.local @!p0 [hbm:s0], s1  }
0x5a: {  	s0 =	simm.s32 @!p0 $0x1  }
0x5b: {  	_ =	swait.ge @!p0 [sflag:s0], s1  }
0x5c: {  	s1 =	ssub.s32 @!p0 $0x0, s1;
	[sflag:s0] =	ssyncset.done @!p0 $0x0  }
0x5d: {  	[sflag:s0] =	ssyncadd.s32 @!p0 s1  }
0x5e: {  	[bflag:$0x3] =	sbarrier.arrive $0xFFFF  }
0x5f: {  	_ =	shalt  }

// kernel: gather_offload_async_start.2
scs
__scs_entry_jumppad:
0x0: {  	(pc) =	sbr.rel $0x88, $3  }
0x1: {  	(tag) =	ssettag $0x0;
	lr =	simm.s32 $0x1  }
0x2: {  	[smem:$0x3F90] =	sst lr;
	_ =	strace $0xD0000000  }
0x3: {  	_ = 	snop  }
0x4: {  	_ = 	snop  }
0x5: {  	_ = 	snop  }
0x6: {  	_ = 	snop  }
0x7: {  	_ = 	snop  }
__scs_overlays_trampoline_lowered:
0x8: {  	[smem:$0x3F9F] =	sst s0  }
0x9: {  	[smem:$0x3FA0] =	sst s1  }
0xa: {  	[smem:$0x3FA1] =	sst s2  }
0xb: {  	[smem:$0x3FA2] =	sst s3  }
0xc: {  	[smem:$0x3FA3] =	sst s4  }
0xd: {  	[smem:$0x3FA4] =	sst s5  }
0xe: {  	[smem:$0x3FA5] =	sst s6  }
0xf: {  	[smem:$0x3FA6] =	sst s7  }
0x10: {  	[smem:$0x3FA7] =	sst s8  }
0x11: {  	[smem:$0x3FA8] =	sst s9;
	s0 =	simm.s32 @!p0 $0x0  }
0x12: {  	s1 =	sld [smem:$0x3F8E];
	s0 =	simm.s32 @p0 $0x1  }
0x13: {  	[smem:$0x3FA9] =	sst s0;
	s0 =	simm.s32 @!p1 $0x0  }
0x14: {  	s2 =	sld [smem:$0x3F8D];
	s0 =	simm.s32 @p1 $0x1  }
0x15: {  	[smem:$0x3FAA] =	sst s0;
	s0 =	simm.s32 @!p2 $0x0  }
0x16: {  	s3 =	sld [smem:$0x3FDB];
	s0 =	simm.s32 @p2 $0x1  }
0x17: {  	s4 =	simm.s32 $0x1BF5;
	[smem:$0x3FAC] =	sst s0  }
0x18: {  	s0 =	sld [smem:$0x3F8F];
	_ =	swait.ge [sflag:s4], $0x0  }
0x19: {  	s7 =	sld [smem:$0x3F90]  }
0x1a: {  	s8 =	sadd.s32 $0xFFFFE003, lr  }
0x1b: {  	s9 =	sadd.s32 $0xFFFFFEF7, lr;
	s5 =	simm.s32 $0xFFFFFFFF;
	p2 =	slt.u32 s8, $0xFFFFF086  }
0x1c: {  	p1 =	slt.u32 s9, $0xF7A;
	s5 =	simm.s32 @!p2 $0x0  }
0x1d: {  	s5 =	simm.s32 @p1 $0x1;
	p0 =	seq.s32 s7, s2  }
0x1e: {  	s7 =	smul.u32 @!p0 $0xF7A, s2;
	p2 =	seq.s32 @!p0 s5, $0x0  }
0x1f: {  	s9 =	smul.u32 $0xF7A, s1;
	s8 =	simm.s32 @!p0 $0x1BF5;
	p2 =	por !p2, p0  }
0x20: {  	[sflag:s8] =	ssyncset.s32 @!p0 $0xFFFFF086;
	s6 =	sadd.s32 @!p0 s3, s7;
	s7 =	simm.s32 @!p0 $0x108  }
0x21: {  	s3 =	sadd.s32 s3, s9;
	s6 =	sadd.s32 @!p0 $0x88, s6;
	s7 =	simm.s32 @p2 $0x1082  }
0x22: {  	[simem:s7], [sflag:s8] =	dma.local @!p0 [hbm:s6], $0xF7A  }
0x23: {  	s9 =	sor.u32 $0xD0000000, s2;
	s6 =	simm.s32 $0x108;
	_ =	swait.ge @!p0 [sflag:s8], $0x0  }
0x24: {  	s3 =	sadd.s32 $0x88, s3;
	s6 =	simm.s32 @!p1 $0x1082;
	[sflag:s4] =	ssyncset.s32 $0xFFFFF086  }
0x25: {  	[simem:s6], [sflag:s4] =	dma.local [hbm:s3], $0xF7A  }
0x26: {  	[smem:$0x3F90] =	sst s1;
	(tag) =	ssettag s2;
	_ =	strace s9  }
0x27: {  	s1 =	sld [smem:$0x3FA0]  }
0x28: {  	s2 =	sld [smem:$0x3FA1]  }
0x29: {  	s4 =	sld [smem:$0x3FA3]  }
0x2a: {  	p0 =	seq.s32 s5, $0x0;
	s5 =	sld [smem:$0x3FA4]  }
0x2b: {  	s6 =	sld [smem:$0x3FA5]  }
0x2c: {  	s7 =	sld [smem:$0x3FA6]  }
0x2d: {  	s3 =	simm.s32 $0x108;
	s8 =	sld [smem:$0x3FA7]  }
0x2e: {  	s3 =	simm.s32 @!p0 $0x1082;
	s9 =	sld [smem:$0x3FA8]  }
0x2f: {  	lr =	sadd.s32 s0, s3;
	s0 =	sld [smem:$0x3F9F]  }
0x30: {  	s3 =	sld [smem:$0x3FA2]  }
0x31: {  	[smem:$0x3FAB] =	sst s10  }
0x32: {  	s10 =	sld [smem:$0x3FA9];
	_ =	sdelay $0x3  }
0x33: {  	p0 =	seq.s32 s10, $0x1;
	s10 =	sld [smem:$0x3FAB];
	_ =	sdelay $0x3  }
0x34: {  	[smem:$0x3FAB] =	sst s10  }
0x35: {  	s10 =	sld [smem:$0x3FAA];
	_ =	sdelay $0x3  }
0x36: {  	p1 =	seq.s32 s10, $0x1;
	s10 =	sld [smem:$0x3FAB];
	_ =	sdelay $0x3  }
0x37: {  	[smem:$0x3FAB] =	sst s10  }
0x38: {  	s10 =	sld [smem:$0x3FAC]  }
0x39: {  	_ = 	snop;
	(pc) =	sbr.ind lr, $3  }
0x3a: {  	_ = 	snop  }
0x3b: {  	_ = 	snop  }
0x3c: {  	p2 =	seq.s32 s10, $0x1;
	s10 =	sld [smem:$0x3FAB]  }
0x3d: {  	_ =	shalt  }
0x3e: {  	_ =	shalt  }
0x3f: {  	_ =	shalt  }
0x40: {  	_ =	shalt  }
0x41: {  	_ =	shalt  }
0x42: {  	_ =	shalt  }
0x43: {  	_ =	shalt  }
0x44: {  	_ =	shalt  }
0x45: {  	_ =	shalt  }
0x46: {  	_ =	shalt  }
0x47: {  	_ =	shalt  }
0x48: {  	_ =	shalt  }
0x49: {  	_ =	shalt  }
0x4a: {  	_ =	shalt  }
0x4b: {  	_ =	shalt  }
0x4c: {  	_ =	shalt  }
0x4d: {  	_ =	shalt  }
0x4e: {  	_ =	shalt  }
0x4f: {  	_ =	shalt  }
0x50: {  	_ =	shalt  }
0x51: {  	_ =	shalt  }
0x52: {  	_ =	shalt  }
0x53: {  	_ =	shalt  }
0x54: {  	_ =	shalt  }
0x55: {  	_ =	shalt  }
0x56: {  	_ =	shalt  }
0x57: {  	_ =	shalt  }
0x58: {  	_ =	shalt  }
0x59: {  	_ =	shalt  }
0x5a: {  	_ =	shalt  }
0x5b: {  	_ =	shalt  }
0x5c: {  	_ =	shalt  }
0x5d: {  	_ =	shalt  }
0x5e: {  	_ =	shalt  }
0x5f: {  	_ =	shalt  }
0x60: {  	_ =	shalt  }
0x61: {  	_ =	shalt  }
0x62: {  	_ =	shalt  }
0x63: {  	_ =	shalt  }
0x64: {  	_ =	shalt  }
0x65: {  	_ =	shalt  }
0x66: {  	_ =	shalt  }
0x67: {  	_ =	shalt  }
0x68: {  	_ =	shalt  }
0x69: {  	_ =	shalt  }
0x6a: {  	_ =	shalt  }
0x6b: {  	_ =	shalt  }
0x6c: {  	_ =	shalt  }
0x6d: {  	_ =	shalt  }
0x6e: {  	_ =	shalt  }
0x6f: {  	_ =	shalt  }
0x70: {  	_ =	shalt  }
0x71: {  	_ =	shalt  }
0x72: {  	_ =	shalt  }
0x73: {  	_ =	shalt  }
0x74: {  	_ =	shalt  }
0x75: {  	_ =	shalt  }
0x76: {  	_ =	shalt  }
0x77: {  	_ =	shalt  }
0x78: {  	_ =	shalt  }
0x79: {  	_ =	shalt  }
0x7a: {  	_ =	shalt  }
0x7b: {  	_ =	shalt  }
0x7c: {  	_ =	shalt  }
0x7d: {  	_ =	shalt  }
0x7e: {  	_ =	shalt  }
0x7f: {  	_ =	shalt  }
0x80: {  	_ =	shalt  }
0x81: {  	_ =	shalt  }
0x82: {  	_ =	shalt  }
0x83: {  	_ =	shalt  }
0x84: {  	_ =	shalt  }
0x85: {  	_ =	shalt  }
0x86: {  	_ =	shalt  }
0x87: {  	_ =	shalt  }
.Lfunc_end0:
.L_simem_size_0:
called_computation.2_lowered:
.L_overlay_start_0:
0x88: {  	s2 =	sld [smem:$0x3FD9]  }
0x89: {  	s3 =	sld [smem:$0x3FFE];
	_ =	sdelay $0x1  }
0x8a: {  	s1 =	srdreg.scid  }
0x8b: {  	s0 =	sand.u32 $0x1, s1  }
0x8c: {  	s17 =	sshll.u32 s0, $0xA;
	s2 =	sadd.s32 s3, s2  }
0x8d: {  	s2 =	sadd.s32 s2, s17  }
0x8e: {  	[smem:$0x3FB7] =	sst s2  }
0x8f: {  	_ = 	snop  }
0x90: {  	(tm) =	ssettm $0x1  }
0x91: {  	s18 =	sld [smem:$0x3FFB];
	_ =	sdelay $0x3  }
0x92: {  	_ =	strace s18  }
0x93: {  	s2 =	sld [smem:$0x3FFC];
	_ =	sdelay $0x3  }
0x94: {  	_ =	strace s2  }
0x95: {  	s2 =	sld [smem:$0x3FFD];
	_ =	sdelay $0x3  }
0x96: {  	_ =	strace s2  }
0x97: {  	_ =	strace $0x8FFFFFFF  }
0x98: {  	s19 =	sld [smem:$0x3FDB];
	_ =	sdelay $0x1  }
0x99: {  	s20 =	simm.s32 $_scs_section_size  }
0x9a: {  	s4 =	simm.s32 $_size__tile_overlayer_lowered;
	s5 =	simm.s32 $_tile_overlayer_lowered  }
0x9b: {  	s6 =	simm.s32 $0x1BFF;
	s21 =	sshll.u32 s5, $0x1;
	s3 =	sadd.s32 s20, s19  }
0x9c: {  	s22 =	simm.s32 $0x0;
	s4 =	sshll.u32 s4, $0x1;
	s5 =	sadd.s32 s21, s3  }
0x9d: {  	[timem:s22], [sflag:s6] =	dma.local [hbm:s5], s4  }
0x9e: {  	_ =	swait.ge [sflag:s6], s4  }
0x9f: {  	s4 =	ssub.s32 $0x0, s4;
	[sflag:s6] =	ssyncset.done $0x0  }
0xa0: {  	[sflag:s6] =	ssyncadd.s32 s4;
	_ =	sdelay $0x1  }
0xa1: {  	s23 =	simm.s32 $0x1B8B  }
0xa2: {  	_ =	swait.ge [sflag:s23], $0x1  }
0xa3: {  	[sflag:s23] =	ssyncset.done $0x0  }
0xa4: {  	[sflag:s23] =	ssyncadd.s32 $0xFFFFFFFF  }
0xa5: {  	s4 =	sld [smem:$0x0]  }
0xa6: {  	s5 =	sand.u32 $0xFFFFFFFE, s1  }
0xa7: {  	p0 =	sne.s32 s1, s5  }
0xa8: {  	s5 =	sshll.u32 @p0 s5, $0xE  }
0xa9: {  	s5 =	sadd.s32 @p0 $0x11B8D, s5;
	s6 =	sshll.u32 @p0 s4, $0x11  }
0xaa: {  	s5 =	sor.u32 @p0 s6, s5  }
0xab: {  	[sflag:s5] =	ssyncadd.remote.s32 @p0 $0x1;
	_ =	sdelay $0x1  }
0xac: {  	s5 =	simm.s32 @p0 $0x1B8D  }
0xad: {  	_ =	swait.eq @p0 [sflag:s5], $0x1  }
0xae: {  	[sflag:s5] =	ssyncadd.s32 @p0 $0xFFFFFFFF  }
0xaf: {  	s6 =	sshll.u32 @!p0 s1, $0xE  }
0xb0: {  	s6 =	sor.u32 @!p0 $0x4000, s6;
	s5 =	simm.s32 @!p0 $0x1B8D  }
0xb1: {  	s4 =	sshll.u32 @!p0 s4, $0x11;
	s6 =	sadd.s32 @!p0 $0x11B8D, s6;
	_ =	swait.eq @!p0 [sflag:s5], $0x1  }
0xb2: {  	s4 =	sor.u32 @!p0 s4, s6;
	[sflag:s5] =	ssyncadd.s32 @!p0 $0xFFFFFFFF  }
0xb3: {  	s25 =	simm.s32 $0x1B8E;
	s24 =	sld [smem:$0x3FFE];
	[sflag:s4] =	ssyncadd.remote.s32 @!p0 $0x1  }
0xb4: {  	s26 =	simm.s32 $execute0_lowered;
	[smem:$0x3FD2] =	sst s25  }
0xb5: {  	s5 =	sshll.u32 s26, $0x1;
	_ =	strace $0x8000004F;
	[dreg:$0x1] =	wrdreg $0xFFFFFFFF  }
0xb6: {  	s28 =	simm.s32 $_size_execute0_lowered;
	s3 =	sadd.s32 s3, s5;
	[dreg:$0x0] =	wrdreg $0x0  }
0xb7: {  	s5 =	sshll.u32 s28, $0x1;
	[dreg:$0x2] =	wrdreg s3  }
0xb8: {  	[dreg:$0x3] =	wrdreg s5  }
0xb9: {  	[dreg:$0x4] =	wrdreg $0xC0  }
0xba: {  	_ =	task [dreg:s22], $0x5FFFF  }
0xbb: {  	[dreg:$0x1] =	wrdreg $0xFFFFFFFF  }
0xbc: {  	[dreg:$0x0] =	wrdreg $0x60  }
0xbd: {  	[dreg:$0x2] =	wrdreg s24  }
0xbe: {  	[dreg:$0x3] =	wrdreg $0xB  }
0xbf: {  	_ =	task.clear_ibuf [dreg:s22], $0x4FFFF;
	_ =	strace $0x9000004F  }
0xc0: {  	s29 =	simm.s32 $0xB;
	_ =	strace $0x80000051  }
0xc1: {  	_ =	swait.ge [sflag:s29], $0x1  }
0xc2: {  	[sflag:s29] =	ssyncadd.s32 $0xFFFFFFFF  }
0xc3: {  	_ =	strace $0x90000051  }
0xc4: {  	_ =	sfence  }
0xc5: {  	s30 =	sld [smem:$0x0];
	_ =	sdelay $0x2  }
0xc6: {  	s31 =	sshll.u32 s1, $0xD;
	s1 =	sshrl.u32 s1, $0x2  }
0xc7: {  	s4 =	sand.u32 $0x4000, s31;
	s1 =	sadd.s32 s1, s30  }
0xc8: {  	s0 =	sor.u32 s4, s0;
	s1 =	sshll.u32 s1, $0x11  }
0xc9: {  	s0 =	sor.u32 s1, s0  }
0xca: {  	s0 =	sadd.s32 $0x8F2B, s0  }
0xcb: {  	[sflag:s0] =	ssyncadd.remote.s32 $0x1  }
0xcc: {  	_ =	sfence.sel $0xFFFF  }
0xcd: {  	[dreg:$0x0] =	wrdreg $0xFFFFFFFF;
	(pc) =	sbr.abs _section_cstart, $3  }
0xce: {  	[dreg:$0x1] =	wrdreg $0xFFFFFFFF  }
0xcf: {  	_ =	task.clear_ibuf [dreg:s22], $0x2FFFF;
	_ =	strace $0x9FFFFFFF  }
0xd0: {  	(tm) =	ssettm $0x7FFFFFFF  }
0xd1: {  	_ =	shalt  }
tec
execute0_lowered:
.L_overlay_start_1:
0x0: {  	(tag) =	ssettag $0x1  }
0x1: {  	s7 =	rddreg [dreg:$0x0]  }
0x2: {  	s0 =	rddreg [dreg:$0x1];
	_ =	strace $0x80000050  }
0x3: {  	s1 =	srdreg.scid;
	s4 =	simm.s32 $0x1;
	s9 =	simm.s32 $0x3  }
0x4: {  	s11 =	simm.s32 $0x0;
	p0 =	por $0x0, $0x0;
	s5 =	sshll.u32 s1, $0x4  }
.Ltmp0:
0x5: {  	s1 =	stileid.u32;
	s5 =	sand.u32 $0x10, s5;
	(pc) =	sbr.rel .LBB2_1-.Ltmp0, $4  }
0x6: {  	s2 =	sadd.s32 $0xCB9400, s7;
	s3 =	sadd.s32 $0xC99000, s7;
	s6 =	sor.u32 s1, s5  }
0x7: {  	[sflag:s4] =	ssyncpa.u1 $0x0;
	s5 =	simm.s32 $0x2;
	s6 =	sshll.u32 s6, $0x7  }
0x8: {  	s7 =	sadd.s32 $0x4E00, s7;
	[sflag:s5] =	ssyncpa.u1 $0x0;
	s8 =	sadd.s32 $0x80, s6  }
0x9: {  	vm0 =	vmmov $0xf;
	[sflag:s9] =	ssyncpa.u1 $0x0;
	s10 =	smov.u32 s6;
	s9 =	simm.s32 $0x0  }
.LBB2_7:
0xa: {  	p1 =	slt.u32 s9, $0x2;
	s11 =	sadd.s32 $0x4, s10  }
0xb: {  	s13 =	smov.u32 s6;
	s9 =	sadd.s32 $0x1, s9;
	p2 =	slt.s32 s11, s8  }
0xc: {  	s13 =	smov.u32 @p2 s11;
	p2 =	sne.s32 s9, $0x22  }
.Ltmp1:
0xd: {  	_ = 	snop;
	(pc) =	sbr.rel @!p2 .LBB2_8-.Ltmp1, $4  }
0xe: {  	s12 =	simm.s32 @!p1 $0x3  }
0xf: {  	_ =	swait.ge @!p1 [sflag:s12], $0xA000  }
0x10: {  	p0 =	por !p0, !p0;
	[sflag:s12] =	ssyncset.done @!p1 $0x0  }
0x11: {  	s11 =	smov.u32 s10;
	s10 =	smov.u32 s13;
	[sflag:s12] =	ssyncadd.s32 @!p1 $0xFFFF6000  }
.LBB2_1:
0x12: {  	p1 =	sgt.u32 s9, $0x1F  }
0x13: {  	s12 =	sxor.u32 @!p1 $0xFFFFFFFF, s9  }
0x14: {  	s13 =	sshrl.u32 @!p1 s10, $0x3;
	s12 =	sshll.u32 @!p1 s12, $0x2  }
0x15: {  	s14 =	sand.u32 @!p1 $0x7, s10;
	s13 =	sadd.s32 @!p1 s3, s13;
	s12 =	sand.u32 @!p1 $0x4, s12  }
0x16: {  	[tilespmem:s12], [sflag:$0x2] =	stream.linear.gather @!p1 [hbm4b:s13+s14], $0x4, $0x38;
	[tilespmem:$0x14008] =	vst v63  }
0x17: {  	p1 =	seq.s32 s9, $0x0  }
0x18: {  	p2 =	seq.s32 @!p1 s9, $0x21  }
0x19: {  	p1 =	por p1, p2  }
.Ltmp2:
0x1a: {  	_ = 	snop;
	(pc) =	sbr.rel @p1 .LBB2_7-.Ltmp2, $1  }
0x1b: {  	_ =	sdelay $0x3  }
0x1c: {  	_ =	swait.ge [sflag:s5], $0x4  }
0x1d: {  	s12 =	sand.u32 $0x1, s9;
	[sflag:s5] =	ssyncset.done $0x0  }
0x1e: {  	s12 =	sshll.u32 s12, $0x2;
	[sflag:s5] =	ssyncadd.s32 $0xFFFFFFFC  }
0x1f: {  	v0 =	vld.msk [tilespmem:s12+$0x0 ss:$0x1], $0xf;
	_ =	sdelay $0x4  }
0x20: {  	vm1 =	vgt.s32 v0, $0x0  }
0x21: {  	v0 =	vnsel vm1, $0x0, v0  }
0x22: {  	v0 =	vmin.u32 v0, $0x27FF  }
0x23: {  	v1 =	vshrl.u32 v0, $0x3  }
0x24: {  	v0 =	vshll.u32 v0, $0x7;
	v1 =	vmul.u32 $0x14000, v1  }
0x25: {  	s12 =	simm.s32 $0x1;
	v0 =	vand.u32 $0x380, v0  }
0x26: {  	s12 =	simm.s32 @!p0 $0x0;
	v0 =	vor.u32 v0, v1  }
0x27: {  	s12 =	smul.u32 $0x28000, s12;
	v0 =	vshrl.u32 v0, $0x3;
	_ =	sdelay $0x1  }
0x28: {  	s12 =	sshrl.u32 s12, $0x2  }
0x29: {  	s12 =	sor.u32 $0x8, s12  }
0x2a: {  	s13 =	simm.s32 $0x800;
	s14 =	sadd.s32 $0x0, s12  }
.LBB2_3:
0x2b: {  	[tilespmem:s14], [sflag:$0x1] =	stream.indirect_vreg.gather [hbm:s2], $0x80, v0, vm0, $0x38;
	[tilespmem:$0x14008] =	vst v63  }
0x2c: {  	v0 =	vadd.s32 $0x80, v0;
	s14 =	smov.u32 s13;
	p1 =	sne.s32 s13, $0x27800  }
.Ltmp3:
0x2d: {  	s13 =	sadd.s32 $0x800, s13;
	(pc) =	sbr.rel @p1 .LBB2_3-.Ltmp3, $3  }
0x2e: {  	_ =	sdelay $0x1  }
0x2f: {  	s14 =	sshra.s32 s14, $0x2  }
0x30: {  	s14 =	sadd.s32 s14, s12  }
0x31: {  	_ =	sdelay $0x3  }
0x32: {  	[tilespmem:s14], [sflag:$0x1] =	stream.indirect_vreg.gather [hbm:s2], $0x80, v0, vm0, $0x38;
	[tilespmem:$0x14008] =	vst v63  }
0x33: {  	s13 =	sshrl.u32 s11, $0x3  }
0x34: {  	s13 =	smul.u32 $0x2800, s13  }
0x35: {  	s31 =	sshll.u32 s11, $0x4  }
0x36: {  	_ =	swait.ge [sflag:s4], $0xA000;
	s11 =	sand.u32 $0x70, s31;
	s13 =	sadd.s32 s13, s7  }
0x37: {  	s14 =	sadd.s32 $0x200, s12;
	[sflag:s4] =	ssyncset.done $0x0;
	s11 =	sadd.s32 s11, s13  }
0x38: {  	[sflag:s4] =	ssyncadd.s32 $0xFFFF6000;
	s13 =	simm.s32 $0x80;
	s15 =	sadd.s32 $0x0, s11  }
.LBB2_5:
0x39: {  	[hbm:s15] =	stream.linear.scatter [tilespmem:s12], [sflag:$0x3], $0x200, $0x38;
	[tilespmem:$0x14008] =	vst v63  }
0x3a: {  	s15 =	smov.u32 s13;
	s12 =	smov.u32 s14;
	p1 =	sne.s32 s13, $0x2780  }
.Ltmp4:
0x3b: {  	s13 =	sadd.s32 $0x80, s13;
	(pc) =	sbr.rel @p1 .LBB2_5-.Ltmp4, $2  }
0x3c: {  	_ =	sdelay $0x2  }
0x3d: {  	s14 =	sadd.s32 $0x200, s14;
	s15 =	sadd.s32 s15, s11  }
.Ltmp5:
0x3e: {  	(pc) =	sbr.rel .LBB2_7-.Ltmp5, $2  }
0x3f: {  	_ =	sdelay $0x2  }
0x40: {  	[hbm:s15] =	stream.linear.scatter [tilespmem:s12], [sflag:$0x3], $0x200, $0x38;
	[tilespmem:$0x14008] =	vst v63  }
.LBB2_8:
0x41: {  	_ =	sfence.sel $0x180000  }
0x42: {  	s2 =	simm.s32 $0x2;
	[bflag:$0x0] =	sbarrier.arrive $0xFFFF  }
0x43: {  	s30 =	simm.s32 $0x3;
	[sflag:s2] =	ssyncpa.u1 $0x1  }
0x44: {  	s31 =	simm.s32 $0x1;
	[sflag:s30] =	ssyncpa.u1 $0x1  }
0x45: {  	[sflag:s31] =	ssyncpa.u1 $0x1  }
0x46: {  	p0 =	sne.s32 s1, $0x0;
	_ =	strace $0x90000050  }
0x47: {  	s0 =	sadd.s32 @!p0 $0x100000, s0;
	[bflag:$0x2] =	sbarrier.arrive $0xFFFF  }
0x48: {  	[sflag:s0] =	ssyncadd.tile.s32 @!p0 $0x1;
	_ =	shalt  }
.Lfunc_end2:
_tile_overlayer_lowered:
.L_overlay_start_2:
0x49: {  	(tag) =	ssettag $0x2  }
0x4a: {  	s0 =	rddreg [dreg:$0x0];
	s2 =	stileid.u32  }
0x4b: {  	s1 =	rddreg [dreg:$0x1];
	p0 =	sne.s32 s2, $0x0  }
0x4c: {  	s3 =	rddreg [dreg:$0x2];
	[bflag:$0x3] =	sbarrier.arrive $0xFFFF;
	s2 =	simm.s32 @!p0 $0x1C01  }
0x4d: {  	[timem:s3], [sflag:s2] =	dma.local @!p0 [hbm:s0], s1  }
0x4e: {  	s0 =	simm.s32 @!p0 $0x1  }
0x4f: {  	_ =	swait.ge @!p0 [sflag:s0], s1  }
0x50: {  	s1 =	ssub.s32 @!p0 $0x0, s1;
	[sflag:s0] =	ssyncset.done @!p0 $0x0  }
0x51: {  	[sflag:s0] =	ssyncadd.s32 @!p0 s1  }
0x52: {  	[bflag:$0x3] =	sbarrier.arrive $0xFFFF  }
0x53: {  	_ =	shalt  }

// kernel: gather_offload_async_start.3
scs
__scs_entry_jumppad:
0x0: {  	(pc) =	sbr.rel $0x88, $3  }
0x1: {  	(tag) =	ssettag $0x0;
	lr =	simm.s32 $0x1  }
0x2: {  	[smem:$0x3F90] =	sst lr;
	_ =	strace $0xD0000000  }
0x3: {  	_ = 	snop  }
0x4: {  	_ = 	snop  }
0x5: {  	_ = 	snop  }
0x6: {  	_ = 	snop  }
0x7: {  	_ = 	snop  }
__scs_overlays_trampoline_lowered:
0x8: {  	[smem:$0x3F9F] =	sst s0  }
0x9: {  	[smem:$0x3FA0] =	sst s1  }
0xa: {  	[smem:$0x3FA1] =	sst s2  }
0xb: {  	[smem:$0x3FA2] =	sst s3  }
0xc: {  	[smem:$0x3FA3] =	sst s4  }
0xd: {  	[smem:$0x3FA4] =	sst s5  }
0xe: {  	[smem:$0x3FA5] =	sst s6  }
0xf: {  	[smem:$0x3FA6] =	sst s7  }
0x10: {  	[smem:$0x3FA7] =	sst s8  }
0x11: {  	[smem:$0x3FA8] =	sst s9;
	s0 =	simm.s32 @!p0 $0x0  }
0x12: {  	s1 =	sld [smem:$0x3F8E];
	s0 =	simm.s32 @p0 $0x1  }
0x13: {  	[smem:$0x3FA9] =	sst s0;
	s0 =	simm.s32 @!p1 $0x0  }
0x14: {  	s2 =	sld [smem:$0x3F8D];
	s0 =	simm.s32 @p1 $0x1  }
0x15: {  	[smem:$0x3FAA] =	sst s0;
	s0 =	simm.s32 @!p2 $0x0  }
0x16: {  	s3 =	sld [smem:$0x3FDB];
	s0 =	simm.s32 @p2 $0x1  }
0x17: {  	s4 =	simm.s32 $0x1BF5;
	[smem:$0x3FAC] =	sst s0  }
0x18: {  	s0 =	sld [smem:$0x3F8F];
	_ =	swait.ge [sflag:s4], $0x0  }
0x19: {  	s7 =	sld [smem:$0x3F90]  }
0x1a: {  	s8 =	sadd.s32 $0xFFFFE003, lr  }
0x1b: {  	s9 =	sadd.s32 $0xFFFFFEF7, lr;
	s5 =	simm.s32 $0xFFFFFFFF;
	p2 =	slt.u32 s8, $0xFFFFF086  }
0x1c: {  	p1 =	slt.u32 s9, $0xF7A;
	s5 =	simm.s32 @!p2 $0x0  }
0x1d: {  	s5 =	simm.s32 @p1 $0x1;
	p0 =	seq.s32 s7, s2  }
0x1e: {  	s7 =	smul.u32 @!p0 $0xF7A, s2;
	p2 =	seq.s32 @!p0 s5, $0x0  }
0x1f: {  	s9 =	smul.u32 $0xF7A, s1;
	s8 =	simm.s32 @!p0 $0x1BF5;
	p2 =	por !p2, p0  }
0x20: {  	[sflag:s8] =	ssyncset.s32 @!p0 $0xFFFFF086;
	s6 =	sadd.s32 @!p0 s3, s7;
	s7 =	simm.s32 @!p0 $0x108  }
0x21: {  	s3 =	sadd.s32 s3, s9;
	s6 =	sadd.s32 @!p0 $0x88, s6;
	s7 =	simm.s32 @p2 $0x1082  }
0x22: {  	[simem:s7], [sflag:s8] =	dma.local @!p0 [hbm:s6], $0xF7A  }
0x23: {  	s9 =	sor.u32 $0xD0000000, s2;
	s6 =	simm.s32 $0x108;
	_ =	swait.ge @!p0 [sflag:s8], $0x0  }
0x24: {  	s3 =	sadd.s32 $0x88, s3;
	s6 =	simm.s32 @!p1 $0x1082;
	[sflag:s4] =	ssyncset.s32 $0xFFFFF086  }
0x25: {  	[simem:s6], [sflag:s4] =	dma.local [hbm:s3], $0xF7A  }
0x26: {  	[smem:$0x3F90] =	sst s1;
	(tag) =	ssettag s2;
	_ =	strace s9  }
0x27: {  	s1 =	sld [smem:$0x3FA0]  }
0x28: {  	s2 =	sld [smem:$0x3FA1]  }
0x29: {  	s4 =	sld [smem:$0x3FA3]  }
0x2a: {  	p0 =	seq.s32 s5, $0x0;
	s5 =	sld [smem:$0x3FA4]  }
0x2b: {  	s6 =	sld [smem:$0x3FA5]  }
0x2c: {  	s7 =	sld [smem:$0x3FA6]  }
0x2d: {  	s3 =	simm.s32 $0x108;
	s8 =	sld [smem:$0x3FA7]  }
0x2e: {  	s3 =	simm.s32 @!p0 $0x1082;
	s9 =	sld [smem:$0x3FA8]  }
0x2f: {  	lr =	sadd.s32 s0, s3;
	s0 =	sld [smem:$0x3F9F]  }
0x30: {  	s3 =	sld [smem:$0x3FA2]  }
0x31: {  	[smem:$0x3FAB] =	sst s10  }
0x32: {  	s10 =	sld [smem:$0x3FA9];
	_ =	sdelay $0x3  }
0x33: {  	p0 =	seq.s32 s10, $0x1;
	s10 =	sld [smem:$0x3FAB];
	_ =	sdelay $0x3  }
0x34: {  	[smem:$0x3FAB] =	sst s10  }
0x35: {  	s10 =	sld [smem:$0x3FAA];
	_ =	sdelay $0x3  }
0x36: {  	p1 =	seq.s32 s10, $0x1;
	s10 =	sld [smem:$0x3FAB];
	_ =	sdelay $0x3  }
0x37: {  	[smem:$0x3FAB] =	sst s10  }
0x38: {  	s10 =	sld [smem:$0x3FAC]  }
0x39: {  	_ = 	snop;
	(pc) =	sbr.ind lr, $3  }
0x3a: {  	_ = 	snop  }
0x3b: {  	_ = 	snop  }
0x3c: {  	p2 =	seq.s32 s10, $0x1;
	s10 =	sld [smem:$0x3FAB]  }
0x3d: {  	_ =	shalt  }
0x3e: {  	_ =	shalt  }
0x3f: {  	_ =	shalt  }
0x40: {  	_ =	shalt  }
0x41: {  	_ =	shalt  }
0x42: {  	_ =	shalt  }
0x43: {  	_ =	shalt  }
0x44: {  	_ =	shalt  }
0x45: {  	_ =	shalt  }
0x46: {  	_ =	shalt  }
0x47: {  	_ =	shalt  }
0x48: {  	_ =	shalt  }
0x49: {  	_ =	shalt  }
0x4a: {  	_ =	shalt  }
0x4b: {  	_ =	shalt  }
0x4c: {  	_ =	shalt  }
0x4d: {  	_ =	shalt  }
0x4e: {  	_ =	shalt  }
0x4f: {  	_ =	shalt  }
0x50: {  	_ =	shalt  }
0x51: {  	_ =	shalt  }
0x52: {  	_ =	shalt  }
0x53: {  	_ =	shalt  }
0x54: {  	_ =	shalt  }
0x55: {  	_ =	shalt  }
0x56: {  	_ =	shalt  }
0x57: {  	_ =	shalt  }
0x58: {  	_ =	shalt  }
0x59: {  	_ =	shalt  }
0x5a: {  	_ =	shalt  }
0x5b: {  	_ =	shalt  }
0x5c: {  	_ =	shalt  }
0x5d: {  	_ =	shalt  }
0x5e: {  	_ =	shalt  }
0x5f: {  	_ =	shalt  }
0x60: {  	_ =	shalt  }
0x61: {  	_ =	shalt  }
0x62: {  	_ =	shalt  }
0x63: {  	_ =	shalt  }
0x64: {  	_ =	shalt  }
0x65: {  	_ =	shalt  }
0x66: {  	_ =	shalt  }
0x67: {  	_ =	shalt  }
0x68: {  	_ =	shalt  }
0x69: {  	_ =	shalt  }
0x6a: {  	_ =	shalt  }
0x6b: {  	_ =	shalt  }
0x6c: {  	_ =	shalt  }
0x6d: {  	_ =	shalt  }
0x6e: {  	_ =	shalt  }
0x6f: {  	_ =	shalt  }
0x70: {  	_ =	shalt  }
0x71: {  	_ =	shalt  }
0x72: {  	_ =	shalt  }
0x73: {  	_ =	shalt  }
0x74: {  	_ =	shalt  }
0x75: {  	_ =	shalt  }
0x76: {  	_ =	shalt  }
0x77: {  	_ =	shalt  }
0x78: {  	_ =	shalt  }
0x79: {  	_ =	shalt  }
0x7a: {  	_ =	shalt  }
0x7b: {  	_ =	shalt  }
0x7c: {  	_ =	shalt  }
0x7d: {  	_ =	shalt  }
0x7e: {  	_ =	shalt  }
0x7f: {  	_ =	shalt  }
0x80: {  	_ =	shalt  }
0x81: {  	_ =	shalt  }
0x82: {  	_ =	shalt  }
0x83: {  	_ =	shalt  }
0x84: {  	_ =	shalt  }
0x85: {  	_ =	shalt  }
0x86: {  	_ =	shalt  }
0x87: {  	_ =	shalt  }
.Lfunc_end0:
.L_simem_size_0:
called_computation.3_lowered:
.L_overlay_start_0:
0x88: {  	s2 =	sld [smem:$0x3FD9]  }
0x89: {  	s3 =	sld [smem:$0x3FFE];
	_ =	sdelay $0x1  }
0x8a: {  	s1 =	srdreg.scid  }
0x8b: {  	s0 =	sand.u32 $0x1, s1  }
0x8c: {  	s17 =	sshll.u32 s0, $0xA;
	s2 =	sadd.s32 s3, s2  }
0x8d: {  	s2 =	sadd.s32 s2, s17  }
0x8e: {  	[smem:$0x3FB7] =	sst s2  }
0x8f: {  	_ = 	snop  }
0x90: {  	s18 =	sld [smem:$0x3FD0];
	(tm) =	ssettm $0x1  }
0x91: {  	s19 =	sld [smem:$0x3FFB];
	_ =	sdelay $0x3  }
0x92: {  	_ =	strace s19  }
0x93: {  	s2 =	sld [smem:$0x3FFC];
	_ =	sdelay $0x3  }
0x94: {  	_ =	strace s2  }
0x95: {  	s2 =	sld [smem:$0x3FFD];
	_ =	sdelay $0x3  }
0x96: {  	_ =	strace s2  }
0x97: {  	_ =	strace $0x8FFFFFFF  }
0x98: {  	s20 =	sld [smem:$0x3FDB];
	_ =	sdelay $0x1  }
0x99: {  	s4 =	simm.s32 $_scs_section_size  }
0x9a: {  	s5 =	simm.s32 $_size__tile_overlayer_lowered;
	s6 =	simm.s32 $_tile_overlayer_lowered  }
0x9b: {  	s7 =	simm.s32 $0x1BFF;
	s21 =	sshll.u32 s6, $0x1;
	s4 =	sadd.s32 s4, s20  }
0x9c: {  	s22 =	simm.s32 $0x0;
	s5 =	sshll.u32 s5, $0x1;
	s6 =	sadd.s32 s21, s4  }
0x9d: {  	[timem:s22], [sflag:s7] =	dma.local [hbm:s6], s5  }
0x9e: {  	_ =	swait.ge [sflag:s7], s5  }
0x9f: {  	s5 =	ssub.s32 $0x0, s5;
	[sflag:s7] =	ssyncset.done $0x0  }
0xa0: {  	[sflag:s7] =	ssyncadd.s32 s5;
	_ =	sdelay $0x1  }
0xa1: {  	s23 =	simm.s32 $0x1B8B  }
0xa2: {  	_ =	swait.ge [sflag:s23], $0x1  }
0xa3: {  	[sflag:s23] =	ssyncset.done $0x0  }
0xa4: {  	[sflag:s23] =	ssyncadd.s32 $0xFFFFFFFF  }
0xa5: {  	s5 =	sld [smem:$0x0]  }
0xa6: {  	s6 =	sand.u32 $0xFFFFFFFE, s1  }
0xa7: {  	p0 =	sne.s32 s1, s6  }
0xa8: {  	s6 =	sshll.u32 @p0 s6, $0xE  }
0xa9: {  	s6 =	sadd.s32 @p0 $0x11B8D, s6;
	s7 =	sshll.u32 @p0 s5, $0x11  }
0xaa: {  	s6 =	sor.u32 @p0 s7, s6  }
0xab: {  	[sflag:s6] =	ssyncadd.remote.s32 @p0 $0x1;
	_ =	sdelay $0x1  }
0xac: {  	s6 =	simm.s32 @p0 $0x1B8D  }
0xad: {  	_ =	swait.eq @p0 [sflag:s6], $0x1  }
0xae: {  	[sflag:s6] =	ssyncadd.s32 @p0 $0xFFFFFFFF  }
0xaf: {  	s7 =	sshll.u32 @!p0 s1, $0xE  }
0xb0: {  	s7 =	sor.u32 @!p0 $0x4000, s7;
	s6 =	simm.s32 @!p0 $0x1B8D  }
0xb1: {  	s5 =	sshll.u32 @!p0 s5, $0x11;
	s7 =	sadd.s32 @!p0 $0x11B8D, s7;
	_ =	swait.eq @!p0 [sflag:s6], $0x1  }
0xb2: {  	s5 =	sor.u32 @!p0 s5, s7;
	[sflag:s6] =	ssyncadd.s32 @!p0 $0xFFFFFFFF  }
0xb3: {  	s25 =	simm.s32 $0x1B8E;
	s24 =	sld [smem:$0x3FFE];
	[sflag:s5] =	ssyncadd.remote.s32 @!p0 $0x1  }
0xb4: {  	s26 =	simm.s32 $execute0_lowered;
	[smem:$0x3FD2] =	sst s25  }
0xb5: {  	s6 =	sshll.u32 s26, $0x1;
	_ =	strace $0x80000052;
	[dreg:$0x1] =	wrdreg $0xFFFFFFFF  }
0xb6: {  	s28 =	simm.s32 $_size_execute0_lowered;
	s4 =	sadd.s32 s4, s6;
	[dreg:$0x0] =	wrdreg $0x0  }
0xb7: {  	s6 =	sshll.u32 s28, $0x1;
	[dreg:$0x2] =	wrdreg s4  }
0xb8: {  	[dreg:$0x3] =	wrdreg s6  }
0xb9: {  	[dreg:$0x4] =	wrdreg $0xC0  }
0xba: {  	_ =	task [dreg:s22], $0x5FFFF  }
0xbb: {  	[dreg:$0x1] =	wrdreg $0xFFFFFFFF  }
0xbc: {  	[dreg:$0x0] =	wrdreg $0x60  }
0xbd: {  	[dreg:$0x2] =	wrdreg s24  }
0xbe: {  	[dreg:$0x3] =	wrdreg s18  }
0xbf: {  	[dreg:$0x4] =	wrdreg $0xC  }
0xc0: {  	_ =	task.clear_ibuf [dreg:s22], $0x5FFFF;
	_ =	strace $0x90000052  }
0xc1: {  	s29 =	simm.s32 $0xC;
	_ =	strace $0x80000054  }
0xc2: {  	_ =	swait.ge [sflag:s29], $0x1  }
0xc3: {  	[sflag:s29] =	ssyncadd.s32 $0xFFFFFFFF  }
0xc4: {  	_ =	strace $0x90000054  }
0xc5: {  	_ =	sfence  }
0xc6: {  	s30 =	sld [smem:$0x0];
	_ =	sdelay $0x2  }
0xc7: {  	s31 =	sshll.u32 s1, $0xD;
	s1 =	sshrl.u32 s1, $0x2  }
0xc8: {  	s4 =	sand.u32 $0x4000, s31;
	s1 =	sadd.s32 s1, s30  }
0xc9: {  	s0 =	sor.u32 s4, s0;
	s1 =	sshll.u32 s1, $0x11  }
0xca: {  	s0 =	sor.u32 s1, s0  }
0xcb: {  	s0 =	sadd.s32 $0x8F2B, s0  }
0xcc: {  	[sflag:s0] =	ssyncadd.remote.s32 $0x1  }
0xcd: {  	_ =	sfence.sel $0xFFFF  }
0xce: {  	[dreg:$0x0] =	wrdreg $0xFFFFFFFF;
	(pc) =	sbr.abs _section_cstart, $3  }
0xcf: {  	[dreg:$0x1] =	wrdreg $0xFFFFFFFF  }
0xd0: {  	_ =	task.clear_ibuf [dreg:s22], $0x2FFFF;
	_ =	strace $0x9FFFFFFF  }
0xd1: {  	(tm) =	ssettm $0x7FFFFFFF  }
tec
execute0_lowered:
.L_overlay_start_1:
0x0: {  	(tag) =	ssettag $0x1  }
0x1: {  	s7 =	rddreg [dreg:$0x0]  }
0x2: {  	s2 =	rddreg [dreg:$0x1]  }
0x3: {  	s0 =	rddreg [dreg:$0x2]  }
0x4: {  	s1 =	srdreg.scid;
	_ =	strace $0x80000053;
	s4 =	simm.s32 $0x1  }
0x5: {  	s9 =	simm.s32 $0x3;
	s11 =	simm.s32 $0x0;
	s5 =	sshll.u32 s1, $0x4  }
.Ltmp0:
0x6: {  	s1 =	stileid.u32;
	s5 =	sand.u32 $0x10, s5;
	(pc) =	sbr.rel .LBB2_1-.Ltmp0, $4  }
0x7: {  	p0 =	por $0x0, $0x0;
	s3 =	sadd.s32 $0xCB9400, s7;
	s6 =	sor.u32 s1, s5  }
0x8: {  	[sflag:s4] =	ssyncpa.u1 $0x0;
	s5 =	simm.s32 $0x2;
	s6 =	sshll.u32 s6, $0x7  }
0x9: {  	s7 =	sadd.s32 $0x504E00, s7;
	[sflag:s5] =	ssyncpa.u1 $0x0;
	s8 =	sadd.s32 $0x80, s6  }
0xa: {  	vm0 =	vmmov $0xf;
	[sflag:s9] =	ssyncpa.u1 $0x0;
	s10 =	smov.u32 s6;
	s9 =	simm.s32 $0x0  }
.LBB2_7:
0xb: {  	p1 =	slt.u32 s9, $0x2;
	s11 =	sadd.s32 $0x4, s10  }
0xc: {  	s13 =	smov.u32 s6;
	s9 =	sadd.s32 $0x1, s9;
	p2 =	slt.s32 s11, s8  }
0xd: {  	s13 =	smov.u32 @p2 s11;
	p2 =	sne.s32 s9, $0x22  }
.Ltmp1:
0xe: {  	_ = 	snop;
	(pc) =	sbr.rel @!p2 .LBB2_8-.Ltmp1, $4  }
0xf: {  	s12 =	simm.s32 @!p1 $0x3  }
0x10: {  	_ =	swait.ge @!p1 [sflag:s12], $0xA000  }
0x11: {  	p0 =	por !p0, !p0;
	[sflag:s12] =	ssyncset.done @!p1 $0x0  }
0x12: {  	s11 =	smov.u32 s10;
	s10 =	smov.u32 s13;
	[sflag:s12] =	ssyncadd.s32 @!p1 $0xFFFF6000  }
.LBB2_1:
0x13: {  	p1 =	sgt.u32 s9, $0x1F  }
0x14: {  	s12 =	sxor.u32 @!p1 $0xFFFFFFFF, s9  }
0x15: {  	s13 =	sshrl.u32 @!p1 s10, $0x3;
	s12 =	sshll.u32 @!p1 s12, $0x2  }
0x16: {  	s14 =	sand.u32 @!p1 $0x7, s10;
	s13 =	sadd.s32 @!p1 s2, s13;
	s12 =	sand.u32 @!p1 $0x4, s12  }
0x17: {  	[tilespmem:s12], [sflag:$0x2] =	stream.linear.gather @!p1 [hbm4b:s13+s14], $0x4, $0x38;
	[tilespmem:$0x14008] =	vst v63  }
0x18: {  	p1 =	seq.s32 s9, $0x0  }
0x19: {  	p2 =	seq.s32 @!p1 s9, $0x21  }
0x1a: {  	p1 =	por p1, p2  }
.Ltmp2:
0x1b: {  	_ = 	snop;
	(pc) =	sbr.rel @p1 .LBB2_7-.Ltmp2, $1  }
0x1c: {  	_ =	sdelay $0x3  }
0x1d: {  	_ =	swait.ge [sflag:s5], $0x4  }
0x1e: {  	s12 =	sand.u32 $0x1, s9;
	[sflag:s5] =	ssyncset.done $0x0  }
0x1f: {  	s12 =	sshll.u32 s12, $0x2;
	[sflag:s5] =	ssyncadd.s32 $0xFFFFFFFC  }
0x20: {  	v0 =	vld.msk [tilespmem:s12+$0x0 ss:$0x1], $0xf;
	_ =	sdelay $0x4  }
0x21: {  	vm1 =	vgt.s32 v0, $0x0  }
0x22: {  	v0 =	vnsel vm1, $0x0, v0  }
0x23: {  	v0 =	vmin.u32 v0, $0x27FF  }
0x24: {  	v1 =	vshrl.u32 v0, $0x3  }
0x25: {  	v0 =	vshll.u32 v0, $0x7;
	v1 =	vmul.u32 $0x14000, v1  }
0x26: {  	s12 =	simm.s32 $0x1;
	v0 =	vand.u32 $0x380, v0  }
0x27: {  	s12 =	simm.s32 @!p0 $0x0;
	v0 =	vor.u32 v0, v1  }
0x28: {  	s12 =	smul.u32 $0x28000, s12;
	v0 =	vshrl.u32 v0, $0x3;
	_ =	sdelay $0x1  }
0x29: {  	s12 =	sshrl.u32 s12, $0x2  }
0x2a: {  	s12 =	sor.u32 $0x8, s12  }
0x2b: {  	s13 =	simm.s32 $0x800;
	s14 =	sadd.s32 $0x0, s12  }
.LBB2_3:
0x2c: {  	[tilespmem:s14], [sflag:$0x1] =	stream.indirect_vreg.gather [hbm:s3], $0x80, v0, vm0, $0x38;
	[tilespmem:$0x14008] =	vst v63  }
0x2d: {  	v0 =	vadd.s32 $0x80, v0;
	s14 =	smov.u32 s13;
	p1 =	sne.s32 s13, $0x27800  }
.Ltmp3:
0x2e: {  	s13 =	sadd.s32 $0x800, s13;
	(pc) =	sbr.rel @p1 .LBB2_3-.Ltmp3, $3  }
0x2f: {  	_ =	sdelay $0x1  }
0x30: {  	s14 =	sshra.s32 s14, $0x2  }
0x31: {  	s14 =	sadd.s32 s14, s12  }
0x32: {  	_ =	sdelay $0x3  }
0x33: {  	[tilespmem:s14], [sflag:$0x1] =	stream.indirect_vreg.gather [hbm:s3], $0x80, v0, vm0, $0x38;
	[tilespmem:$0x14008] =	vst v63  }
0x34: {  	s13 =	sshrl.u32 s11, $0x3  }
0x35: {  	s13 =	smul.u32 $0x2800, s13  }
0x36: {  	s31 =	sshll.u32 s11, $0x4  }
0x37: {  	_ =	swait.ge [sflag:s4], $0xA000;
	s11 =	sand.u32 $0x70, s31;
	s13 =	sadd.s32 s13, s7  }
0x38: {  	s14 =	sadd.s32 $0x200, s12;
	[sflag:s4] =	ssyncset.done $0x0;
	s11 =	sadd.s32 s11, s13  }
0x39: {  	[sflag:s4] =	ssyncadd.s32 $0xFFFF6000;
	s13 =	simm.s32 $0x80;
	s15 =	sadd.s32 $0x0, s11  }
.LBB2_5:
0x3a: {  	[hbm:s15] =	stream.linear.scatter [tilespmem:s12], [sflag:$0x3], $0x200, $0x38;
	[tilespmem:$0x14008] =	vst v63  }
0x3b: {  	s15 =	smov.u32 s13;
	s12 =	smov.u32 s14;
	p1 =	sne.s32 s13, $0x2780  }
.Ltmp4:
0x3c: {  	s13 =	sadd.s32 $0x80, s13;
	(pc) =	sbr.rel @p1 .LBB2_5-.Ltmp4, $2  }
0x3d: {  	_ =	sdelay $0x2  }
0x3e: {  	s14 =	sadd.s32 $0x200, s14;
	s15 =	sadd.s32 s15, s11  }
.Ltmp5:
0x3f: {  	(pc) =	sbr.rel .LBB2_7-.Ltmp5, $2  }
0x40: {  	_ =	sdelay $0x2  }
0x41: {  	[hbm:s15] =	stream.linear.scatter [tilespmem:s12], [sflag:$0x3], $0x200, $0x38;
	[tilespmem:$0x14008] =	vst v63  }
.LBB2_8:
0x42: {  	_ =	sfence.sel $0x180000  }
0x43: {  	s2 =	simm.s32 $0x2;
	[bflag:$0x0] =	sbarrier.arrive $0xFFFF  }
0x44: {  	s30 =	simm.s32 $0x3;
	[sflag:s2] =	ssyncpa.u1 $0x1  }
0x45: {  	s31 =	simm.s32 $0x1;
	[sflag:s30] =	ssyncpa.u1 $0x1  }
0x46: {  	[sflag:s31] =	ssyncpa.u1 $0x1  }
0x47: {  	p0 =	sne.s32 s1, $0x0;
	_ =	strace $0x90000053  }
0x48: {  	s0 =	sadd.s32 @!p0 $0x100000, s0;
	[bflag:$0x2] =	sbarrier.arrive $0xFFFF  }
0x49: {  	[sflag:s0] =	ssyncadd.tile.s32 @!p0 $0x1;
	_ =	shalt  }
.Lfunc_end2:
_tile_overlayer_lowered:
.L_overlay_start_2:
0x4a: {  	(tag) =	ssettag $0x2  }
0x4b: {  	s0 =	rddreg [dreg:$0x0];
	s2 =	stileid.u32  }
0x4c: {  	s1 =	rddreg [dreg:$0x1];
	p0 =	sne.s32 s2, $0x0  }
0x4d: {  	s3 =	rddreg [dreg:$0x2];
	[bflag:$0x3] =	sbarrier.arrive $0xFFFF;
	s2 =	simm.s32 @!p0 $0x1C01  }
0x4e: {  	[timem:s3], [sflag:s2] =	dma.local @!p0 [hbm:s0], s1  }
0x4f: {  	s0 =	simm.s32 @!p0 $0x1  }
0x50: {  	_ =	swait.ge @!p0 [sflag:s0], s1  }
0x51: {  	s1 =	ssub.s32 @!p0 $0x0, s1;
	[sflag:s0] =	ssyncset.done @!p0 $0x0  }
0x52: {  	[sflag:s0] =	ssyncadd.s32 @!p0 s1  }
0x53: {  	[bflag:$0x3] =	sbarrier.arrive $0xFFFF  }
0x54: {  	_ =	shalt  }

// kernel: gather_offload_async_start
scs
__scs_entry_jumppad:
0x0: {  	(pc) =	sbr.rel $0x88, $3  }
0x1: {  	(tag) =	ssettag $0x0;
	lr =	simm.s32 $0x1  }
0x2: {  	[smem:$0x3F90] =	sst lr;
	_ =	strace $0xD0000000  }
0x3: {  	_ = 	snop  }
0x4: {  	_ = 	snop  }
0x5: {  	_ = 	snop  }
0x6: {  	_ = 	snop  }
0x7: {  	_ = 	snop  }
__scs_overlays_trampoline_lowered:
0x8: {  	[smem:$0x3F9F] =	sst s0  }
0x9: {  	[smem:$0x3FA0] =	sst s1  }
0xa: {  	[smem:$0x3FA1] =	sst s2  }
0xb: {  	[smem:$0x3FA2] =	sst s3  }
0xc: {  	[smem:$0x3FA3] =	sst s4  }
0xd: {  	[smem:$0x3FA4] =	sst s5  }
0xe: {  	[smem:$0x3FA5] =	sst s6  }
0xf: {  	[smem:$0x3FA6] =	sst s7  }
0x10: {  	[smem:$0x3FA7] =	sst s8  }
0x11: {  	[smem:$0x3FA8] =	sst s9;
	s0 =	simm.s32 @!p0 $0x0  }
0x12: {  	s1 =	sld [smem:$0x3F8E];
	s0 =	simm.s32 @p0 $0x1  }
0x13: {  	[smem:$0x3FA9] =	sst s0;
	s0 =	simm.s32 @!p1 $0x0  }
0x14: {  	s2 =	sld [smem:$0x3F8D];
	s0 =	simm.s32 @p1 $0x1  }
0x15: {  	[smem:$0x3FAA] =	sst s0;
	s0 =	simm.s32 @!p2 $0x0  }
0x16: {  	s3 =	sld [smem:$0x3FDB];
	s0 =	simm.s32 @p2 $0x1  }
0x17: {  	s4 =	simm.s32 $0x1BF5;
	[smem:$0x3FAC] =	sst s0  }
0x18: {  	s0 =	sld [smem:$0x3F8F];
	_ =	swait.ge [sflag:s4], $0x0  }
0x19: {  	s7 =	sld [smem:$0x3F90]  }
0x1a: {  	s8 =	sadd.s32 $0xFFFFE003, lr  }
0x1b: {  	s9 =	sadd.s32 $0xFFFFFEF7, lr;
	s5 =	simm.s32 $0xFFFFFFFF;
	p2 =	slt.u32 s8, $0xFFFFF086  }
0x1c: {  	p1 =	slt.u32 s9, $0xF7A;
	s5 =	simm.s32 @!p2 $0x0  }
0x1d: {  	s5 =	simm.s32 @p1 $0x1;
	p0 =	seq.s32 s7, s2  }
0x1e: {  	s7 =	smul.u32 @!p0 $0xF7A, s2;
	p2 =	seq.s32 @!p0 s5, $0x0  }
0x1f: {  	s9 =	smul.u32 $0xF7A, s1;
	s8 =	simm.s32 @!p0 $0x1BF5;
	p2 =	por !p2, p0  }
0x20: {  	[sflag:s8] =	ssyncset.s32 @!p0 $0xFFFFF086;
	s6 =	sadd.s32 @!p0 s3, s7;
	s7 =	simm.s32 @!p0 $0x108  }
0x21: {  	s3 =	sadd.s32 s3, s9;
	s6 =	sadd.s32 @!p0 $0x88, s6;
	s7 =	simm.s32 @p2 $0x1082  }
0x22: {  	[simem:s7], [sflag:s8] =	dma.local @!p0 [hbm:s6], $0xF7A  }
0x23: {  	s9 =	sor.u32 $0xD0000000, s2;
	s6 =	simm.s32 $0x108;
	_ =	swait.ge @!p0 [sflag:s8], $0x0  }
0x24: {  	s3 =	sadd.s32 $0x88, s3;
	s6 =	simm.s32 @!p1 $0x1082;
	[sflag:s4] =	ssyncset.s32 $0xFFFFF086  }
0x25: {  	[simem:s6], [sflag:s4] =	dma.local [hbm:s3], $0xF7A  }
0x26: {  	[smem:$0x3F90] =	sst s1;
	(tag) =	ssettag s2;
	_ =	strace s9  }
0x27: {  	s1 =	sld [smem:$0x3FA0]  }
0x28: {  	s2 =	sld [smem:$0x3FA1]  }
0x29: {  	s4 =	sld [smem:$0x3FA3]  }
0x2a: {  	p0 =	seq.s32 s5, $0x0;
	s5 =	sld [smem:$0x3FA4]  }
0x2b: {  	s6 =	sld [smem:$0x3FA5]  }
0x2c: {  	s7 =	sld [smem:$0x3FA6]  }
0x2d: {  	s3 =	simm.s32 $0x108;
	s8 =	sld [smem:$0x3FA7]  }
0x2e: {  	s3 =	simm.s32 @!p0 $0x1082;
	s9 =	sld [smem:$0x3FA8]  }
0x2f: {  	lr =	sadd.s32 s0, s3;
	s0 =	sld [smem:$0x3F9F]  }
0x30: {  	s3 =	sld [smem:$0x3FA2]  }
0x31: {  	[smem:$0x3FAB] =	sst s10  }
0x32: {  	s10 =	sld [smem:$0x3FA9];
	_ =	sdelay $0x3  }
0x33: {  	p0 =	seq.s32 s10, $0x1;
	s10 =	sld [smem:$0x3FAB];
	_ =	sdelay $0x3  }
0x34: {  	[smem:$0x3FAB] =	sst s10  }
0x35: {  	s10 =	sld [smem:$0x3FAA];
	_ =	sdelay $0x3  }
0x36: {  	p1 =	seq.s32 s10, $0x1;
	s10 =	sld [smem:$0x3FAB];
	_ =	sdelay $0x3  }
0x37: {  	[smem:$0x3FAB] =	sst s10  }
0x38: {  	s10 =	sld [smem:$0x3FAC]  }
0x39: {  	_ = 	snop;
	(pc) =	sbr.ind lr, $3  }
0x3a: {  	_ = 	snop  }
0x3b: {  	_ = 	snop  }
0x3c: {  	p2 =	seq.s32 s10, $0x1;
	s10 =	sld [smem:$0x3FAB]  }
0x3d: {  	_ =	shalt  }
0x3e: {  	_ =	shalt  }
0x3f: {  	_ =	shalt  }
0x40: {  	_ =	shalt  }
0x41: {  	_ =	shalt  }
0x42: {  	_ =	shalt  }
0x43: {  	_ =	shalt  }
0x44: {  	_ =	shalt  }
0x45: {  	_ =	shalt  }
0x46: {  	_ =	shalt  }
0x47: {  	_ =	shalt  }
0x48: {  	_ =	shalt  }
0x49: {  	_ =	shalt  }
0x4a: {  	_ =	shalt  }
0x4b: {  	_ =	shalt  }
0x4c: {  	_ =	shalt  }
0x4d: {  	_ =	shalt  }
0x4e: {  	_ =	shalt  }
0x4f: {  	_ =	shalt  }
0x50: {  	_ =	shalt  }
0x51: {  	_ =	shalt  }
0x52: {  	_ =	shalt  }
0x53: {  	_ =	shalt  }
0x54: {  	_ =	shalt  }
0x55: {  	_ =	shalt  }
0x56: {  	_ =	shalt  }
0x57: {  	_ =	shalt  }
0x58: {  	_ =	shalt  }
0x59: {  	_ =	shalt  }
0x5a: {  	_ =	shalt  }
0x5b: {  	_ =	shalt  }
0x5c: {  	_ =	shalt  }
0x5d: {  	_ =	shalt  }
0x5e: {  	_ =	shalt  }
0x5f: {  	_ =	shalt  }
0x60: {  	_ =	shalt  }
0x61: {  	_ =	shalt  }
0x62: {  	_ =	shalt  }
0x63: {  	_ =	shalt  }
0x64: {  	_ =	shalt  }
0x65: {  	_ =	shalt  }
0x66: {  	_ =	shalt  }
0x67: {  	_ =	shalt  }
0x68: {  	_ =	shalt  }
0x69: {  	_ =	shalt  }
0x6a: {  	_ =	shalt  }
0x6b: {  	_ =	shalt  }
0x6c: {  	_ =	shalt  }
0x6d: {  	_ =	shalt  }
0x6e: {  	_ =	shalt  }
0x6f: {  	_ =	shalt  }
0x70: {  	_ =	shalt  }
0x71: {  	_ =	shalt  }
0x72: {  	_ =	shalt  }
0x73: {  	_ =	shalt  }
0x74: {  	_ =	shalt  }
0x75: {  	_ =	shalt  }
0x76: {  	_ =	shalt  }
0x77: {  	_ =	shalt  }
0x78: {  	_ =	shalt  }
0x79: {  	_ =	shalt  }
0x7a: {  	_ =	shalt  }
0x7b: {  	_ =	shalt  }
0x7c: {  	_ =	shalt  }
0x7d: {  	_ =	shalt  }
0x7e: {  	_ =	shalt  }
0x7f: {  	_ =	shalt  }
0x80: {  	_ =	shalt  }
0x81: {  	_ =	shalt  }
0x82: {  	_ =	shalt  }
0x83: {  	_ =	shalt  }
0x84: {  	_ =	shalt  }
0x85: {  	_ =	shalt  }
0x86: {  	_ =	shalt  }
0x87: {  	_ =	shalt  }
.Lfunc_end0:
.L_simem_size_0:
called_computation_lowered:
.L_overlay_start_0:
0x88: {  	s2 =	sld [smem:$0x3FD9]  }
0x89: {  	s3 =	sld [smem:$0x3FFE];
	_ =	sdelay $0x1  }
0x8a: {  	s1 =	srdreg.scid  }
0x8b: {  	s0 =	sand.u32 $0x1, s1  }
0x8c: {  	s17 =	sshll.u32 s0, $0xA;
	s2 =	sadd.s32 s3, s2  }
0x8d: {  	s2 =	sadd.s32 s2, s17  }
0x8e: {  	[smem:$0x3FB7] =	sst s2  }
0x8f: {  	_ = 	snop  }
0x90: {  	s18 =	sld [smem:$0x3FC9];
	(tm) =	ssettm $0x1  }
0x91: {  	s19 =	sld [smem:$0x3FFB];
	_ =	sdelay $0x3  }
0x92: {  	_ =	strace s19  }
0x93: {  	s2 =	sld [smem:$0x3FFC];
	_ =	sdelay $0x3  }
0x94: {  	_ =	strace s2  }
0x95: {  	s2 =	sld [smem:$0x3FFD];
	_ =	sdelay $0x3  }
0x96: {  	_ =	strace s2  }
0x97: {  	_ =	strace $0x8FFFFFFF  }
0x98: {  	s20 =	sld [smem:$0x3FDB];
	_ =	sdelay $0x1  }
0x99: {  	s4 =	simm.s32 $_scs_section_size  }
0x9a: {  	s5 =	simm.s32 $_size__tile_overlayer_lowered;
	s6 =	simm.s32 $_tile_overlayer_lowered  }
0x9b: {  	s7 =	simm.s32 $0x1BFF;
	s21 =	sshll.u32 s6, $0x1;
	s4 =	sadd.s32 s4, s20  }
0x9c: {  	s22 =	simm.s32 $0x0;
	s5 =	sshll.u32 s5, $0x1;
	s6 =	sadd.s32 s21, s4  }
0x9d: {  	[timem:s22], [sflag:s7] =	dma.local [hbm:s6], s5  }
0x9e: {  	_ =	swait.ge [sflag:s7], s5  }
0x9f: {  	s5 =	ssub.s32 $0x0, s5;
	[sflag:s7] =	ssyncset.done $0x0  }
0xa0: {  	[sflag:s7] =	ssyncadd.s32 s5;
	_ =	sdelay $0x1  }
0xa1: {  	s23 =	simm.s32 $0x1B8B  }
0xa2: {  	_ =	swait.ge [sflag:s23], $0x1  }
0xa3: {  	[sflag:s23] =	ssyncset.done $0x0  }
0xa4: {  	[sflag:s23] =	ssyncadd.s32 $0xFFFFFFFF  }
0xa5: {  	s5 =	sld [smem:$0x0]  }
0xa6: {  	s6 =	sand.u32 $0xFFFFFFFE, s1  }
0xa7: {  	p0 =	sne.s32 s1, s6  }
0xa8: {  	s6 =	sshll.u32 @p0 s6, $0xE  }
0xa9: {  	s6 =	sadd.s32 @p0 $0x11B8D, s6;
	s7 =	sshll.u32 @p0 s5, $0x11  }
0xaa: {  	s6 =	sor.u32 @p0 s7, s6  }
0xab: {  	[sflag:s6] =	ssyncadd.remote.s32 @p0 $0x1;
	_ =	sdelay $0x1  }
0xac: {  	s6 =	simm.s32 @p0 $0x1B8D  }
0xad: {  	_ =	swait.eq @p0 [sflag:s6], $0x1  }
0xae: {  	[sflag:s6] =	ssyncadd.s32 @p0 $0xFFFFFFFF  }
0xaf: {  	s7 =	sshll.u32 @!p0 s1, $0xE  }
0xb0: {  	s7 =	sor.u32 @!p0 $0x4000, s7;
	s6 =	simm.s32 @!p0 $0x1B8D  }
0xb1: {  	s5 =	sshll.u32 @!p0 s5, $0x11;
	s7 =	sadd.s32 @!p0 $0x11B8D, s7;
	_ =	swait.eq @!p0 [sflag:s6], $0x1  }
0xb2: {  	s5 =	sor.u32 @!p0 s5, s7;
	[sflag:s6] =	ssyncadd.s32 @!p0 $0xFFFFFFFF  }
0xb3: {  	s25 =	simm.s32 $0x1B8E;
	s24 =	sld [smem:$0x3FFE];
	[sflag:s5] =	ssyncadd.remote.s32 @!p0 $0x1  }
0xb4: {  	s26 =	simm.s32 $execute0_lowered;
	[smem:$0x3FD2] =	sst s25  }
0xb5: {  	s6 =	sshll.u32 s26, $0x1;
	_ =	strace $0x80000049;
	[dreg:$0x1] =	wrdreg $0xFFFFFFFF  }
0xb6: {  	s28 =	simm.s32 $_size_execute0_lowered;
	s4 =	sadd.s32 s4, s6;
	[dreg:$0x0] =	wrdreg $0x0  }
0xb7: {  	s6 =	sshll.u32 s28, $0x1;
	[dreg:$0x2] =	wrdreg s4  }
0xb8: {  	[dreg:$0x3] =	wrdreg s6  }
0xb9: {  	[dreg:$0x4] =	wrdreg $0xC0  }
0xba: {  	_ =	task [dreg:s22], $0x5FFFF  }
0xbb: {  	[dreg:$0x1] =	wrdreg $0xFFFFFFFF  }
0xbc: {  	[dreg:$0x0] =	wrdreg $0x60  }
0xbd: {  	[dreg:$0x2] =	wrdreg s18  }
0xbe: {  	[dreg:$0x3] =	wrdreg s24  }
0xbf: {  	[dreg:$0x4] =	wrdreg $0x9  }
0xc0: {  	_ =	task.clear_ibuf [dreg:s22], $0x5FFFF;
	_ =	strace $0x90000049  }
0xc1: {  	s29 =	simm.s32 $0x9;
	_ =	strace $0x8000004B  }
0xc2: {  	_ =	swait.ge [sflag:s29], $0x1  }
0xc3: {  	[sflag:s29] =	ssyncadd.s32 $0xFFFFFFFF  }
0xc4: {  	_ =	strace $0x9000004B  }
0xc5: {  	_ =	sfence  }
0xc6: {  	s30 =	sld [smem:$0x0];
	_ =	sdelay $0x2  }
0xc7: {  	s31 =	sshll.u32 s1, $0xD;
	s1 =	sshrl.u32 s1, $0x2  }
0xc8: {  	s4 =	sand.u32 $0x4000, s31;
	s1 =	sadd.s32 s1, s30  }
0xc9: {  	s0 =	sor.u32 s4, s0;
	s1 =	sshll.u32 s1, $0x11  }
0xca: {  	s0 =	sor.u32 s1, s0  }
0xcb: {  	s0 =	sadd.s32 $0x8F2B, s0  }
0xcc: {  	[sflag:s0] =	ssyncadd.remote.s32 $0x1  }
0xcd: {  	_ =	sfence.sel $0xFFFF  }
0xce: {  	[dreg:$0x0] =	wrdreg $0xFFFFFFFF;
	(pc) =	sbr.abs _section_cstart, $3  }
0xcf: {  	[dreg:$0x1] =	wrdreg $0xFFFFFFFF  }
0xd0: {  	_ =	task.clear_ibuf [dreg:s22], $0x2FFFF;
	_ =	strace $0x9FFFFFFF  }
0xd1: {  	(tm) =	ssettm $0x7FFFFFFF  }
tec
execute0_lowered:
.L_overlay_start_1:
0x0: {  	(tag) =	ssettag $0x1  }
0x1: {  	s2 =	rddreg [dreg:$0x0]  }
0x2: {  	s7 =	rddreg [dreg:$0x1]  }
0x3: {  	s0 =	rddreg [dreg:$0x2]  }
0x4: {  	s1 =	srdreg.scid;
	_ =	strace $0x8000004A;
	s4 =	simm.s32 $0x1  }
0x5: {  	s9 =	simm.s32 $0x3;
	s12 =	simm.s32 $0x0;
	s5 =	sshll.u32 s1, $0x4  }
.Ltmp0:
0x6: {  	s1 =	stileid.u32;
	s5 =	sand.u32 $0x10, s5;
	(pc) =	sbr.rel .LBB2_1-.Ltmp0, $4  }
0x7: {  	s10 =	simm.s32 $0x0;
	s3 =	sadd.s32 $0xC98E00, s7;
	s6 =	sor.u32 s1, s5  }
0x8: {  	[sflag:s4] =	ssyncpa.u1 $0x0;
	s5 =	simm.s32 $0x2;
	s6 =	sshll.u32 s6, $0x7  }
0x9: {  	s7 =	sadd.s32 $0xC99200, s7;
	[sflag:s5] =	ssyncpa.u1 $0x0;
	s8 =	sadd.s32 $0x80, s6  }
0xa: {  	vm0 =	vmmov $0xff;
	vm1 =	vcmask $0x3F20;
	[sflag:s9] =	ssyncpa.u1 $0x0;
	s9 =	simm.s32 $0x80;
	s11 =	smov.u32 s6  }
.LBB2_9:
0xb: {  	p0 =	seq.s32 s10, $0x2  }
.Ltmp1:
0xc: {  	_ = 	snop;
	(pc) =	sbr.rel @p0 .LBB2_11-.Ltmp1, $1  }
0xd: {  	_ =	sdelay $0x3  }
.LBB2_10:
0xe: {  	s12 =	sadd.s32 $0x80, s11  }
0xf: {  	s13 =	smov.u32 s6;
	p0 =	slt.s32 s12, s8  }
0x10: {  	s13 =	smov.u32 @p0 s12  }
0x11: {  	s10 =	sadd.s32 $0x1, s10;
	s12 =	smov.u32 s11;
	s11 =	smov.u32 s13  }
.LBB2_1:
0x12: {  	p0 =	sne.s32 s10, $0x0  }
.Ltmp2:
0x13: {  	_ = 	snop;
	(pc) =	sbr.rel @!p0 .LBB2_2-.Ltmp2, $1  }
0x14: {  	_ =	sdelay $0x3  }
0x15: {  	s13 =	sand.u32 $0x1, s10  }
0x16: {  	p0 =	seq.s32 s13, $0x0  }
.Ltmp3:
0x17: {  	_ = 	snop;
	(pc) =	sbr.rel @p0 .LBB2_9-.Ltmp3, $1  }
0x18: {  	_ =	sdelay $0x3  }
0x19: {  	_ =	swait.ge [sflag:s5], $0x80  }
0x1a: {  	[sflag:s5] =	ssyncset.done $0x0  }
0x1b: {  	s13 =	simm.s32 $0x0;
	[sflag:s5] =	ssyncadd.s32 $0xFFFFFF80  }
0x1c: {  	v0 =	vld.msk [tilespmem:s13+$0x80 ss:$0x1], $0xffff;
	_ =	sdelay $0x4  }
0x1d: {  	vm2 =	vgt.s32 v0, $0x0  }
0x1e: {  	v0 =	vnsel vm2, $0x0, v0  }
0x1f: {  	v0 =	vmin.u32 v0, $0x270F  }
0x20: {  	v0 =	vshll.u32 v0, $0x4;
	_ =	sdelay $0x3  }
0x21: {  	s13 =	simm.s32 $0x4100  }
0x22: {  	[tilespmem:s13], [sflag:$0x1] =	stream.indirect_vreg.gather [hbm:s2], $0x80, v0, vm0, $0x38;
	[tilespmem:$0x8100] =	vst v63  }
0x23: {  	s14 =	simm.s32 $0x4500;
	s31 =	simm.s32 $0x10  }
0x24: {  	[tilespmem:s14], [sflag:$0x1] =	stream.indirect_vreg.gather [hbm:s2], $0x80, v0, vm1, $0x38;
	[tilespmem:$0x8100] =	vst v63  }
0x25: {  	s14 =	simm.s32 $0x80;
	v0 =	vld.msk [tilespmem:s31+$0x80 ss:$0x1], $0xffff  }
.LBB2_5:
0x26: {  	p0 =	sne.s32 s14, $0x1C0;
	_ =	sdelay $0x4  }
0x27: {  	vm2 =	vgt.s32 v0, $0x0  }
0x28: {  	v0 =	vnsel vm2, $0x0, v0  }
0x29: {  	v0 =	vmin.u32 v0, $0x270F  }
0x2a: {  	v0 =	vshll.u32 v0, $0x4;
	_ =	sdelay $0x3  }
.Ltmp4:
0x2b: {  	s13 =	sadd.s32 $0x800, s13;
	(pc) =	sbr.rel @p0 .LBB2_5-.Ltmp4, $4  }
0x2c: {  	[tilespmem:s13], [sflag:$0x1] =	stream.indirect_vreg.gather [hbm:s2], $0x80, v0, vm0, $0x38;
	[tilespmem:$0x8100] =	vst v63  }
0x2d: {  	s15 =	sshra.s32 s14, $0x2;
	s16 =	sadd.s32 $0x400, s13  }
0x2e: {  	[tilespmem:s16], [sflag:$0x1] =	stream.indirect_vreg.gather [hbm:s2], $0x80, v0, vm1, $0x38;
	[tilespmem:$0x8100] =	vst v63  }
0x2f: {  	s14 =	sadd.s32 $0x40, s14;
	v0 =	vld.msk [tilespmem:s15+$0x80 ss:$0x1], $0xffff  }
0x30: {  	_ =	sdelay $0x3  }
0x31: {  	vm2 =	vgt.s32 v0, $0x0  }
0x32: {  	v0 =	vnsel vm2, $0x0, v0  }
0x33: {  	v0 =	vmin.u32 v0, $0x270F  }
0x34: {  	v0 =	vshll.u32 v0, $0x4;
	_ =	sdelay $0x3  }
0x35: {  	s13 =	sadd.s32 $0x800, s13  }
0x36: {  	[tilespmem:s13], [sflag:$0x1] =	stream.indirect_vreg.gather [hbm:s2], $0x80, v0, vm0, $0x38;
	[tilespmem:$0x8100] =	vst v63  }
0x37: {  	s13 =	sadd.s32 $0x400, s13  }
0x38: {  	[tilespmem:s13], [sflag:$0x1] =	stream.indirect_vreg.gather [hbm:s2], $0x80, v0, vm1, $0x38;
	[tilespmem:$0x8100] =	vst v63  }
0x39: {  	s12 =	sshll.u32 s12, $0x4;
	s14 =	simm.s32 $0x80;
	_ =	swait.ge [sflag:s4], $0x4000  }
0x3a: {  	s15 =	simm.s32 $0x4500;
	s12 =	sadd.s32 s12, s7;
	[sflag:s4] =	ssyncset.done $0x0  }
0x3b: {  	s16 =	sadd.s32 $0x0, s12;
	s13 =	simm.s32 $0x4100;
	[sflag:s4] =	ssyncadd.s32 $0xFFFFC000  }
.LBB2_7:
0x3c: {  	[hbm:s16] =	stream.linear.scatter [tilespmem:s13], [sflag:$0x3], $0x400, $0x38;
	[tilespmem:$0x8100] =	vst v63  }
0x3d: {  	s16 =	smov.u32 s14;
	s13 =	smov.u32 s15;
	p0 =	sne.s32 s14, $0x780  }
.Ltmp5:
0x3e: {  	s14 =	sadd.s32 $0x80, s14;
	(pc) =	sbr.rel @p0 .LBB2_7-.Ltmp5, $2  }
0x3f: {  	_ =	sdelay $0x2  }
0x40: {  	s15 =	sadd.s32 $0x400, s15;
	s16 =	sadd.s32 s16, s12  }
.Ltmp6:
0x41: {  	(pc) =	sbr.rel .LBB2_9-.Ltmp6, $2  }
0x42: {  	_ =	sdelay $0x2  }
0x43: {  	[hbm:s16] =	stream.linear.scatter [tilespmem:s13], [sflag:$0x3], $0x400, $0x38;
	[tilespmem:$0x8100] =	vst v63  }
.LBB2_2:
.Ltmp7:
0x44: {  	(pc) =	sbr.rel .LBB2_10-.Ltmp7, $4  }
0x45: {  	_ = 	snop  }
0x46: {  	s12 =	sshrl.u32 s11, $0x3  }
0x47: {  	s13 =	sand.u32 $0x7, s11;
	s12 =	sadd.s32 s3, s12  }
0x48: {  	[tilespmem:s9], [sflag:$0x2] =	stream.linear.gather [hbm4b:s12+s13], $0x80, $0x38;
	[tilespmem:$0x8100] =	vst v63  }
.LBB2_11:
0x49: {  	s2 =	simm.s32 $0x3  }
0x4a: {  	_ =	swait.ge [sflag:s2], $0x4000  }
0x4b: {  	[sflag:s2] =	ssyncset.done $0x0  }
0x4c: {  	[sflag:s2] =	ssyncadd.s32 $0xFFFFC000  }
0x4d: {  	_ =	sfence.sel $0x180000  }
0x4e: {  	s3 =	simm.s32 $0x2;
	[bflag:$0x0] =	sbarrier.arrive $0xFFFF  }
0x4f: {  	[sflag:s3] =	ssyncpa.u1 $0x1  }
0x50: {  	s31 =	simm.s32 $0x1;
	[sflag:s2] =	ssyncpa.u1 $0x1  }
0x51: {  	[sflag:s31] =	ssyncpa.u1 $0x1  }
0x52: {  	p0 =	sne.s32 s1, $0x0;
	_ =	strace $0x9000004A  }
0x53: {  	s0 =	sadd.s32 @!p0 $0x100000, s0;
	[bflag:$0x2] =	sbarrier.arrive $0xFFFF  }
0x54: {  	[sflag:s0] =	ssyncadd.tile.s32 @!p0 $0x1;
	_ =	shalt  }
.Lfunc_end2:
_tile_overlayer_lowered:
.L_overlay_start_2:
0x55: {  	(tag) =	ssettag $0x2  }
0x56: {  	s0 =	rddreg [dreg:$0x0];
	s2 =	stileid.u32  }
0x57: {  	s1 =	rddreg [dreg:$0x1];
	p0 =	sne.s32 s2, $0x0  }
0x58: {  	s3 =	rddreg [dreg:$0x2];
	[bflag:$0x3] =	sbarrier.arrive $0xFFFF;
	s2 =	simm.s32 @!p0 $0x1C01  }
0x59: {  	[timem:s3], [sflag:s2] =	dma.local @!p0 [hbm:s0], s1  }
0x5a: {  	s0 =	simm.s32 @!p0 $0x1  }
0x5b: {  	_ =	swait.ge @!p0 [sflag:s0], s1  }
0x5c: {  	s1 =	ssub.s32 @!p0 $0x0, s1;
	[sflag:s0] =	ssyncset.done @!p0 $0x0  }
0x5d: {  	[sflag:s0] =	ssyncadd.s32 @!p0 s1  }
0x5e: {  	[bflag:$0x3] =	sbarrier.arrive $0xFFFF  }
0x5f: {  	_ =	shalt  }

</sc_bundles>
